<compile_context>
chip_gen: v7x
topology: tpu7x:2x2x1
jax: 0.10.2.dev20260603
libtpu: 0.0.44.dev20260713+nightly
codegen_flags: <defaults>
</compile_context>

<pallas_src>
import functools

import jax
import jax.numpy as jnp
from jax import lax
from jax.experimental import pallas as pl
from jax.experimental.pallas import tpu as pltpu
from jax.experimental.pallas import tpu_sc as plsc

B = 128
V = 100000
TOP_K = 8
ROWS_PER_W = 4
CR = 20000
GSTEPS = V // CR


def _gather_kernel(predt_hbm, ytrue_hbm, out_hbm, yt_v, win_v, tl_v, semb):
    wid = lax.axis_index("s") * 2 + lax.axis_index("c")
    lanes = lax.iota(jnp.int32, 16)
    r0 = wid * ROWS_PER_W

    pltpu.sync_copy(ytrue_hbm, yt_v)
    ytw = yt_v[pl.ds((r0 // 16) * 16, 16)]
    win_copies = []
    yts = []
    for i in range(ROWS_PER_W):
        lane_i = r0 - (r0 // 16) * 16 + i
        yt = jnp.max(jnp.where(lanes == lane_i, ytw, 0))
        rowblk = pl.multiple_of((yt // 8) * 8, 8)
        win_copies.append(pltpu.async_copy(
            predt_hbm.at[pl.ds(rowblk, 8), :], win_v.at[i], semb))
        yts.append(yt)
    tv = jnp.zeros((16,), jnp.float32)
    for i in range(ROWS_PER_W):
        win_copies[i].wait()
        b = r0 + i
        sub = yts[i] - (yts[i] // 8) * 8
        t = jnp.float32(-3e38)
        for s in range(8):
            piece = win_v[i, s, pl.ds((b // 16) * 16, 16)]
            val_s = jnp.max(jnp.where(lanes == b % 16, piece,
                                      jnp.float32(-3e38)))
            t = jnp.where(sub == s, val_s, t)
        tv = jnp.where(lanes == i, jnp.full((16,), t, jnp.float32), tv)
    tl_v[...] = tv
    pltpu.sync_copy(tl_v, out_hbm.at[wid])


@jax.jit
def _gather_targets(predt, ytrue):
    mesh = plsc.VectorSubcoreMesh(core_axis_name="c", subcore_axis_name="s")
    kern = functools.partial(
        pl.kernel,
        mesh=mesh,
        compiler_params=pltpu.CompilerParams(needs_layout_passes=False),
        out_type=jax.ShapeDtypeStruct((B // ROWS_PER_W, 16), jnp.float32),
        scratch_types=[
            pltpu.VMEM((B,), jnp.int32),
            pltpu.VMEM((ROWS_PER_W, 8, 128), jnp.float32),
            pltpu.VMEM((16,), jnp.float32),
            pltpu.SemaphoreType.DMA,
        ],
    )(_gather_kernel)
    return kern(predt, ytrue)


def _count_kernel(predt_ref, t_ref, yt_ref, out_ref, cnt_ref):
    g = pl.program_id(0)

    @pl.when(g == 0)
    def _():
        cnt_ref[...] = jnp.zeros_like(cnt_ref)

    v = predt_ref[...]
    row = (lax.broadcasted_iota(jnp.int32, (CR, 128), 0) + g * CR
           ).astype(jnp.float32)
    t = t_ref[0:1, :]
    yt = yt_ref[0:1, :]
    m = (v > t) | ((v == t) & (row < yt))
    cnt_ref[0:1, :] += jnp.sum(m.astype(jnp.int32), axis=0, keepdims=True)

    @pl.when(g == GSTEPS - 1)
    def _():
        hits = (cnt_ref[0:1, :] < TOP_K).astype(jnp.float32)
        out_ref[...] = jnp.full((1, 1), jnp.sum(hits) / jnp.float32(B))


@jax.jit
def _count_ranks(predt, tvals, ytrue_f):
    return pl.pallas_call(
        _count_kernel,
        grid=(GSTEPS,),
        in_specs=[
            pl.BlockSpec((CR, 128), lambda g: (g, 0)),
            pl.BlockSpec((8, 128), lambda g: (0, 0)),
            pl.BlockSpec((8, 128), lambda g: (0, 0)),
        ],
        out_specs=pl.BlockSpec((1, 1), lambda g: (0, 0)),
        out_shape=jax.ShapeDtypeStruct((1, 1), jnp.float32),
        scratch_shapes=[pltpu.VMEM((8, 128), jnp.int32)],
        compiler_params=pltpu.CompilerParams(
            dimension_semantics=("arbitrary",)),
    )(predt, tvals, ytrue_f)


def kernel(y_pred, y_true):
    yt = y_true.astype(jnp.int32)
    predt = y_pred.T
    tgrid = _gather_targets(predt, yt)
    tvals = tgrid[:, :ROWS_PER_W].reshape(1, B)
    out = _count_ranks(
        predt,
        jnp.broadcast_to(tvals, (8, B)),
        jnp.broadcast_to(yt.astype(jnp.float32).reshape(1, B), (8, B)))
    return out[0, 0]

# --- scband reference (transcript-rebuilt; emitter-appended) ---
"""Pipeline reference for scband-top-kaccuracy-28544352649468 (READ-ONLY COPY).

The authoritative reference and input builder live on the scoring server;
editing this copy changes nothing except your own understanding.
"""

import jax, jax.numpy as jnp
import numpy as np

TOP_K = 8

def setup_inputs(seed: int = 0) -> dict:
    key = jax.random.key(seed)
    k1, k2 = jax.random.split(key)
    y_pred = jax.random.normal(k1, (128, 100000), dtype=jnp.float32)
    y_true = jax.random.randint(k2, (128,), 0, 100000, dtype=jnp.int64 if jax.config.jax_enable_x64 else jnp.int32)
    return {"y_pred": y_pred, "y_true": y_true}

def reference(y_pred, y_true):
    # torch.topk(y_pred, top_k) -> (values, indices); sorted descending (matches lax.top_k)
    dist, ranks = jax.lax.top_k(y_pred, TOP_K)
    # y_comp = transpose(y_true.repeat(top_k).view(top_k, -1)) -> shape [B, top_k], each row = y_true[b]
    y_comp = jnp.broadcast_to(y_true[:, None], ranks.shape)
    train_acc = (ranks == y_comp).astype(jnp.float32).sum(axis=1).mean()
    return train_acc

if __name__ == "__main__":
    import jax
    _d = setup_inputs()
    print(jax.jit(kernel)(*tuple(_d.values())))

</pallas_src>

<mosaic_0001>
#map = affine_map<(d0, d1) -> (0, 0)>
#map1 = affine_map<(d0, d1) -> (0)>
module attributes {stable_mosaic.version = 14 : i64} {
  func.func @_gather_kernel(%arg0: i32, %arg1: i32, %arg2: memref<100000x128xf32, #tpu.memory_space<hbm>>, %arg3: memref<128xi32, #tpu.memory_space<hbm>>, %arg4: memref<32x16xf32, #tpu.memory_space<hbm>>, %arg5: memref<128xi32, #tpu.memory_space<vmem>>, %arg6: memref<4x8x128xf32, #tpu.memory_space<vmem>>, %arg7: memref<16xf32, #tpu.memory_space<vmem>>, %arg8: memref<!tpu.dma_semaphore, #tpu.memory_space<semaphore_mem>>) attributes {dimension_semantics = [#tpu.dimension_semantics<core_parallel>, #tpu.dimension_semantics<subcore_parallel>], iteration_bounds = array<i64: 2, 16>, scalar_prefetch = 0 : i64, scratch_operands = 4 : i64, tpu.core_type = #tpu.core_type<sc_vector_subcore>, window_params = [{transform_indices = #map}, {transform_indices = #map1}, {transform_indices = #map}]} {
    %mul3A = arith.constant 2 : i32
    %mul3A_0 = arith.muli %arg1, %mul3A : i32
    %add3A = arith.addi %mul3A_0, %arg0 : i32
    %iota3A = tpu.iota {dimensions = array<i32: 0>} : vector<16xi32>
    %mul3A_1 = arith.constant 4 : i32
    %mul3A_2 = arith.muli %add3A, %mul3A_1 : i32
    "tpu.region"() ({
      %run_scoped3A = tpu.sem_alloc : memref<!tpu.dma_semaphore, #tpu.memory_space<semaphore_mem>>
      tpu.enqueue_dma source(%arg3 : memref<128xi32, #tpu.memory_space<hbm>>) target(%arg5 : memref<128xi32, #tpu.memory_space<vmem>>) target_semaphore(%run_scoped3A : memref<!tpu.dma_semaphore, #tpu.memory_space<semaphore_mem>>)
      tpu.wait_dma2 semaphore(%run_scoped3A : memref<!tpu.dma_semaphore, #tpu.memory_space<semaphore_mem>>) src(%arg3 : memref<128xi32, #tpu.memory_space<hbm>>) dst(%arg5 : memref<128xi32, #tpu.memory_space<vmem>>)
      tpu.yield
    }) : () -> ()
    %jit3A = arith.constant 16 : i32
    %div3A = arith.divsi %mul3A_2, %jit3A : i32
    %sign3A = arith.constant 0 : i32
    %sign3A_3 = arith.cmpi sgt, %mul3A_2, %sign3A : i32
    %sign3A_4 = arith.extui %sign3A_3 : i1 to i32
    %sign3A_5 = arith.constant 0 : i32
    %sign3A_6 = arith.cmpi slt, %mul3A_2, %sign3A_5 : i32
    %sign3A_7 = arith.extui %sign3A_6 : i1 to i32
    %sign3A_8 = arith.subi %sign3A_4, %sign3A_7 : i32
    %sign3A_9 = arith.constant 0 : i32
    %sign3A_10 = arith.cmpi sgt, %jit3A, %sign3A_9 : i32
    %sign3A_11 = arith.extui %sign3A_10 : i1 to i32
    %sign3A_12 = arith.constant 0 : i32
    %sign3A_13 = arith.cmpi slt, %jit3A, %sign3A_12 : i32
    %sign3A_14 = arith.extui %sign3A_13 : i1 to i32
    %sign3A_15 = arith.subi %sign3A_11, %sign3A_14 : i32
    %ne3A = arith.cmpi ne, %sign3A_8, %sign3A_15 : i32
    %rem3A = arith.remsi %mul3A_2, %jit3A : i32
    %ne3A_16 = arith.constant 0 : i32
    %ne3A_17 = arith.cmpi ne, %rem3A, %ne3A_16 : i32
    %and3A = arith.andi %ne3A, %ne3A_17 : i1
    %sub3A = arith.constant 1 : i32
    %sub3A_18 = arith.subi %div3A, %sub3A : i32
    %select_n3A = arith.select %and3A, %sub3A_18, %div3A : i32
    %mul3A_19 = arith.constant 16 : i32
    %mul3A_20 = arith.muli %select_n3A, %mul3A_19 : i32
    %get3A = arith.index_cast %mul3A_20 : i32 to index
    %get3A_21 = tpu.vector_load %arg5[%get3A] {strides = array<i32>} : memref<128xi32, #tpu.memory_space<vmem>>, vector<16xi32>,
    %jit3A_22 = arith.constant 16 : i32
    %div3A_23 = arith.divsi %mul3A_2, %jit3A_22 : i32
    %sign3A_24 = arith.constant 0 : i32
    %sign3A_25 = arith.cmpi sgt, %mul3A_2, %sign3A_24 : i32
    %sign3A_26 = arith.extui %sign3A_25 : i1 to i32
    %sign3A_27 = arith.constant 0 : i32
    %sign3A_28 = arith.cmpi slt, %mul3A_2, %sign3A_27 : i32
    %sign3A_29 = arith.extui %sign3A_28 : i1 to i32
    %sign3A_30 = arith.subi %sign3A_26, %sign3A_29 : i32
    %sign3A_31 = arith.constant 0 : i32
    %sign3A_32 = arith.cmpi sgt, %jit3A_22, %sign3A_31 : i32
    %sign3A_33 = arith.extui %sign3A_32 : i1 to i32
    %sign3A_34 = arith.constant 0 : i32
    %sign3A_35 = arith.cmpi slt, %jit3A_22, %sign3A_34 : i32
    %sign3A_36 = arith.extui %sign3A_35 : i1 to i32
    %sign3A_37 = arith.subi %sign3A_33, %sign3A_36 : i32
    %ne3A_38 = arith.cmpi ne, %sign3A_30, %sign3A_37 : i32
    %rem3A_39 = arith.remsi %mul3A_2, %jit3A_22 : i32
    %ne3A_40 = arith.constant 0 : i32
    %ne3A_41 = arith.cmpi ne, %rem3A_39, %ne3A_40 : i32
    %and3A_42 = arith.andi %ne3A_38, %ne3A_41 : i1
    %sub3A_43 = arith.constant 1 : i32
    %sub3A_44 = arith.subi %div3A_23, %sub3A_43 : i32
    %select_n3A_45 = arith.select %and3A_42, %sub3A_44, %div3A_23 : i32
    %mul3A_46 = arith.constant 16 : i32
    %mul3A_47 = arith.muli %select_n3A_45, %mul3A_46 : i32
    %sub3A_48 = arith.subi %mul3A_2, %mul3A_47 : i32
    %add3A_49 = arith.constant 0 : i32
    %add3A_50 = arith.addi %sub3A_48, %add3A_49 : i32
    %eq3A = vector.broadcast %add3A_50 : i32 to vector<16xi32>
    %eq3A_51 = arith.cmpi eq, %iota3A, %eq3A : vector<16xi32>
    %jit3A_52 = arith.constant 0 : i32
    %broadcast_in_dim3A = vector.broadcast %jit3A_52 : i32 to vector<16xi32>
    %select_n3A_53 = arith.select %eq3A_51, %get3A_21, %broadcast_in_dim3A : vector<16xi1>, vector<16xi32>
    %reduce_max3A = arith.constant true
    %reduce_max3A_54 = vector.broadcast %reduce_max3A : i1 to vector<16xi1>
    %reduce_max3A_55 = arith.constant -2147483648 : i32
    %reduce_max3A_56 = vector.broadcast %reduce_max3A_55 : i32 to vector<16xi32>
    %reduce_max3A_57 = arith.xori %select_n3A_53, %reduce_max3A_56 : vector<16xi32>
    %reduce_max3A_58 = tpu.scan <max>, %reduce_max3A_57 masked %reduce_max3A_54 : vector<16xi32>, vector<16xi1> -> vector<16xi32>
    %reduce_max3A_59 = arith.xori %reduce_max3A_58, %reduce_max3A_56 : vector<16xi32>
    %reduce_max3A_60 = vector.extract %reduce_max3A_59[15] : i32 from vector<16xi32>
    %jit3A_61 = arith.constant 8 : i32
    %div3A_62 = arith.divsi %reduce_max3A_60, %jit3A_61 : i32
    %sign3A_63 = arith.constant 0 : i32
    %sign3A_64 = arith.cmpi sgt, %reduce_max3A_60, %sign3A_63 : i32
    %sign3A_65 = arith.extui %sign3A_64 : i1 to i32
    %sign3A_66 = arith.constant 0 : i32
    %sign3A_67 = arith.cmpi slt, %reduce_max3A_60, %sign3A_66 : i32
    %sign3A_68 = arith.extui %sign3A_67 : i1 to i32
    %sign3A_69 = arith.subi %sign3A_65, %sign3A_68 : i32
    %sign3A_70 = arith.constant 0 : i32
    %sign3A_71 = arith.cmpi sgt, %jit3A_61, %sign3A_70 : i32
    %sign3A_72 = arith.extui %sign3A_71 : i1 to i32
    %sign3A_73 = arith.constant 0 : i32
    %sign3A_74 = arith.cmpi slt, %jit3A_61, %sign3A_73 : i32
    %sign3A_75 = arith.extui %sign3A_74 : i1 to i32
    %sign3A_76 = arith.subi %sign3A_72, %sign3A_75 : i32
    %ne3A_77 = arith.cmpi ne, %sign3A_69, %sign3A_76 : i32
    %rem3A_78 = arith.remsi %reduce_max3A_60, %jit3A_61 : i32
    %ne3A_79 = arith.constant 0 : i32
    %ne3A_80 = arith.cmpi ne, %rem3A_78, %ne3A_79 : i32
    %and3A_81 = arith.andi %ne3A_77, %ne3A_80 : i1
    %sub3A_82 = arith.constant 1 : i32
    %sub3A_83 = arith.subi %div3A_62, %sub3A_82 : i32
    %select_n3A_84 = arith.select %and3A_81, %sub3A_83, %div3A_62 : i32
    %mul3A_85 = arith.constant 8 : i32
    %mul3A_86 = arith.muli %select_n3A_84, %mul3A_85 : i32
    %multiple_of3A = tpu.assume_multiple %mul3A_86, 8 : i32
    %dma_start3A = arith.constant 0 : i32
    %dma_start3A_87 = arith.constant 0 : i32
    %dma_start3A_88 = arith.constant 0 : i32
    %dma_start3A_89 = tpu.memref_slice %arg6[%dma_start3A, %dma_start3A_87, %dma_start3A_88] : memref<4x8x128xf32, #tpu.memory_space<vmem>> -> memref<1x8x128xf32, #tpu.memory_space<vmem>>
    %dma_start3A_90 = tpu.memref_squeeze %dma_start3A_89 : memref<1x8x128xf32, #tpu.memory_space<vmem>> -> memref<8x128xf32, #tpu.memory_space<vmem>>
    %dma_start3A_91 = arith.constant 0 : i32
    %dma_start3A_92 = tpu.memref_slice %arg2[%multiple_of3A, %dma_start3A_91] : memref<100000x128xf32, #tpu.memory_space<hbm>> -> memref<8x128xf32, #tpu.memory_space<hbm>>
    %dma_start3A_93 = arith.constant 0 : i32
    %dma_start3A_94 = arith.constant 0 : i32
    %dma_start3A_95 = tpu.memref_slice %arg6[%dma_start3A, %dma_start3A_93, %dma_start3A_94] : memref<4x8x128xf32, #tpu.memory_space<vmem>> -> memref<1x8x128xf32, #tpu.memory_space<vmem>>
    %dma_start3A_96 = tpu.memref_squeeze %dma_start3A_95 : memref<1x8x128xf32, #tpu.memory_space<vmem>> -> memref<8x128xf32, #tpu.memory_space<vmem>>
    %dma_start3A_97 = arith.constant 0 : i32
    %dma_start3A_98 = tpu.memref_slice %arg2[%multiple_of3A, %dma_start3A_97] : memref<100000x128xf32, #tpu.memory_space<hbm>> -> memref<8x128xf32, #tpu.memory_space<hbm>>
    tpu.enqueue_dma source(%dma_start3A_98 : memref<8x128xf32, #tpu.memory_space<hbm>>) target(%dma_start3A_96 : memref<8x128xf32, #tpu.memory_space<vmem>>) target_semaphore(%arg8 : memref<!tpu.dma_semaphore, #tpu.memory_space<semaphore_mem>>)
    %jit3A_99 = arith.constant 16 : i32
    %div3A_100 = arith.divsi %mul3A_2, %jit3A_99 : i32
    %sign3A_101 = arith.constant 0 : i32
    %sign3A_102 = arith.cmpi sgt, %mul3A_2, %sign3A_101 : i32
    %sign3A_103 = arith.extui %sign3A_102 : i1 to i32
    %sign3A_104 = arith.constant 0 : i32
    %sign3A_105 = arith.cmpi slt, %mul3A_2, %sign3A_104 : i32
    %sign3A_106 = arith.extui %sign3A_105 : i1 to i32
    %sign3A_107 = arith.subi %sign3A_103, %sign3A_106 : i32
    %sign3A_108 = arith.constant 0 : i32
    %sign3A_109 = arith.cmpi sgt, %jit3A_99, %sign3A_108 : i32
    %sign3A_110 = arith.extui %sign3A_109 : i1 to i32
    %sign3A_111 = arith.constant 0 : i32
    %sign3A_112 = arith.cmpi slt, %jit3A_99, %sign3A_111 : i32
    %sign3A_113 = arith.extui %sign3A_112 : i1 to i32
    %sign3A_114 = arith.subi %sign3A_110, %sign3A_113 : i32
    %ne3A_115 = arith.cmpi ne, %sign3A_107, %sign3A_114 : i32
    %rem3A_116 = arith.remsi %mul3A_2, %jit3A_99 : i32
    %ne3A_117 = arith.constant 0 : i32
    %ne3A_118 = arith.cmpi ne, %rem3A_116, %ne3A_117 : i32
    %and3A_119 = arith.andi %ne3A_115, %ne3A_118 : i1
    %sub3A_120 = arith.constant 1 : i32
    %sub3A_121 = arith.subi %div3A_100, %sub3A_120 : i32
    %select_n3A_122 = arith.select %and3A_119, %sub3A_121, %div3A_100 : i32
    %mul3A_123 = arith.constant 16 : i32
    %mul3A_124 = arith.muli %select_n3A_122, %mul3A_123 : i32
    %sub3A_125 = arith.subi %mul3A_2, %mul3A_124 : i32
    %add3A_126 = arith.constant 1 : i32
    %add3A_127 = arith.addi %sub3A_125, %add3A_126 : i32
    %eq3A_128 = vector.broadcast %add3A_127 : i32 to vector<16xi32>
    %eq3A_129 = arith.cmpi eq, %iota3A, %eq3A_128 : vector<16xi32>
    %jit3A_130 = arith.constant 0 : i32
    %broadcast_in_dim3A_131 = vector.broadcast %jit3A_130 : i32 to vector<16xi32>
    %select_n3A_132 = arith.select %eq3A_129, %get3A_21, %broadcast_in_dim3A_131 : vector<16xi1>, vector<16xi32>
    %reduce_max3A_133 = arith.constant true
    %reduce_max3A_134 = vector.broadcast %reduce_max3A_133 : i1 to vector<16xi1>
    %reduce_max3A_135 = arith.constant -2147483648 : i32
    %reduce_max3A_136 = vector.broadcast %reduce_max3A_135 : i32 to vector<16xi32>
    %reduce_max3A_137 = arith.xori %select_n3A_132, %reduce_max3A_136 : vector<16xi32>
    %reduce_max3A_138 = tpu.scan <max>, %reduce_max3A_137 masked %reduce_max3A_134 : vector<16xi32>, vector<16xi1> -> vector<16xi32>
    %reduce_max3A_139 = arith.xori %reduce_max3A_138, %reduce_max3A_136 : vector<16xi32>
    %reduce_max3A_140 = vector.extract %reduce_max3A_139[15] : i32 from vector<16xi32>
    %jit3A_141 = arith.constant 8 : i32
    %div3A_142 = arith.divsi %reduce_max3A_140, %jit3A_141 : i32
    %sign3A_143 = arith.constant 0 : i32
    %sign3A_144 = arith.cmpi sgt, %reduce_max3A_140, %sign3A_143 : i32
    %sign3A_145 = arith.extui %sign3A_144 : i1 to i32
    %sign3A_146 = arith.constant 0 : i32
    %sign3A_147 = arith.cmpi slt, %reduce_max3A_140, %sign3A_146 : i32
    %sign3A_148 = arith.extui %sign3A_147 : i1 to i32
    %sign3A_149 = arith.subi %sign3A_145, %sign3A_148 : i32
    %sign3A_150 = arith.constant 0 : i32
    %sign3A_151 = arith.cmpi sgt, %jit3A_141, %sign3A_150 : i32
    %sign3A_152 = arith.extui %sign3A_151 : i1 to i32
    %sign3A_153 = arith.constant 0 : i32
    %sign3A_154 = arith.cmpi slt, %jit3A_141, %sign3A_153 : i32
    %sign3A_155 = arith.extui %sign3A_154 : i1 to i32
    %sign3A_156 = arith.subi %sign3A_152, %sign3A_155 : i32
    %ne3A_157 = arith.cmpi ne, %sign3A_149, %sign3A_156 : i32
    %rem3A_158 = arith.remsi %reduce_max3A_140, %jit3A_141 : i32
    %ne3A_159 = arith.constant 0 : i32
    %ne3A_160 = arith.cmpi ne, %rem3A_158, %ne3A_159 : i32
    %and3A_161 = arith.andi %ne3A_157, %ne3A_160 : i1
    %sub3A_162 = arith.constant 1 : i32
    %sub3A_163 = arith.subi %div3A_142, %sub3A_162 : i32
    %select_n3A_164 = arith.select %and3A_161, %sub3A_163, %div3A_142 : i32
    %mul3A_165 = arith.constant 8 : i32
    %mul3A_166 = arith.muli %select_n3A_164, %mul3A_165 : i32
    %multiple_of3A_167 = tpu.assume_multiple %mul3A_166, 8 : i32
    %dma_start3A_168 = arith.constant 1 : i32
    %dma_start3A_169 = arith.constant 0 : i32
    %dma_start3A_170 = arith.constant 0 : i32
    %dma_start3A_171 = tpu.memref_slice %arg6[%dma_start3A_168, %dma_start3A_169, %dma_start3A_170] : memref<4x8x128xf32, #tpu.memory_space<vmem>> -> memref<1x8x128xf32, #tpu.memory_space<vmem>>
    %dma_start3A_172 = tpu.memref_squeeze %dma_start3A_171 : memref<1x8x128xf32, #tpu.memory_space<vmem>> -> memref<8x128xf32, #tpu.memory_space<vmem>>
    %dma_start3A_173 = arith.constant 0 : i32
    %dma_start3A_174 = tpu.memref_slice %arg2[%multiple_of3A_167, %dma_start3A_173] : memref<100000x128xf32, #tpu.memory_space<hbm>> -> memref<8x128xf32, #tpu.memory_space<hbm>>
    %dma_start3A_175 = arith.constant 0 : i32
    %dma_start3A_176 = arith.constant 0 : i32
    %dma_start3A_177 = tpu.memref_slice %arg6[%dma_start3A_168, %dma_start3A_175, %dma_start3A_176] : memref<4x8x128xf32, #tpu.memory_space<vmem>> -> memref<1x8x128xf32, #tpu.memory_space<vmem>>
    %dma_start3A_178 = tpu.memref_squeeze %dma_start3A_177 : memref<1x8x128xf32, #tpu.memory_space<vmem>> -> memref<8x128xf32, #tpu.memory_space<vmem>>
    %dma_start3A_179 = arith.constant 0 : i32
    %dma_start3A_180 = tpu.memref_slice %arg2[%multiple_of3A_167, %dma_start3A_179] : memref<100000x128xf32, #tpu.memory_space<hbm>> -> memref<8x128xf32, #tpu.memory_space<hbm>>
    tpu.enqueue_dma source(%dma_start3A_180 : memref<8x128xf32, #tpu.memory_space<hbm>>) target(%dma_start3A_178 : memref<8x128xf32, #tpu.memory_space<vmem>>) target_semaphore(%arg8 : memref<!tpu.dma_semaphore, #tpu.memory_space<semaphore_mem>>)
    %jit3A_181 = arith.constant 16 : i32
    %div3A_182 = arith.divsi %mul3A_2, %jit3A_181 : i32
    %sign3A_183 = arith.constant 0 : i32
    %sign3A_184 = arith.cmpi sgt, %mul3A_2, %sign3A_183 : i32
    %sign3A_185 = arith.extui %sign3A_184 : i1 to i32
    %sign3A_186 = arith.constant 0 : i32
    %sign3A_187 = arith.cmpi slt, %mul3A_2, %sign3A_186 : i32
    %sign3A_188 = arith.extui %sign3A_187 : i1 to i32
    %sign3A_189 = arith.subi %sign3A_185, %sign3A_188 : i32
    %sign3A_190 = arith.constant 0 : i32
    %sign3A_191 = arith.cmpi sgt, %jit3A_181, %sign3A_190 : i32
    %sign3A_192 = arith.extui %sign3A_191 : i1 to i32
    %sign3A_193 = arith.constant 0 : i32
    %sign3A_194 = arith.cmpi slt, %jit3A_181, %sign3A_193 : i32
    %sign3A_195 = arith.extui %sign3A_194 : i1 to i32
    %sign3A_196 = arith.subi %sign3A_192, %sign3A_195 : i32
    %ne3A_197 = arith.cmpi ne, %sign3A_189, %sign3A_196 : i32
    %rem3A_198 = arith.remsi %mul3A_2, %jit3A_181 : i32
    %ne3A_199 = arith.constant 0 : i32
    %ne3A_200 = arith.cmpi ne, %rem3A_198, %ne3A_199 : i32
    %and3A_201 = arith.andi %ne3A_197, %ne3A_200 : i1
    %sub3A_202 = arith.constant 1 : i32
    %sub3A_203 = arith.subi %div3A_182, %sub3A_202 : i32
    %select_n3A_204 = arith.select %and3A_201, %sub3A_203, %div3A_182 : i32
    %mul3A_205 = arith.constant 16 : i32
    %mul3A_206 = arith.muli %select_n3A_204, %mul3A_205 : i32
    %sub3A_207 = arith.subi %mul3A_2, %mul3A_206 : i32
    %add3A_208 = arith.constant 2 : i32
    %add3A_209 = arith.addi %sub3A_207, %add3A_208 : i32
    %eq3A_210 = vector.broadcast %add3A_209 : i32 to vector<16xi32>
    %eq3A_211 = arith.cmpi eq, %iota3A, %eq3A_210 : vector<16xi32>
    %jit3A_212 = arith.constant 0 : i32
    %broadcast_in_dim3A_213 = vector.broadcast %jit3A_212 : i32 to vector<16xi32>
    %select_n3A_214 = arith.select %eq3A_211, %get3A_21, %broadcast_in_dim3A_213 : vector<16xi1>, vector<16xi32>
    %reduce_max3A_215 = arith.constant true
    %reduce_max3A_216 = vector.broadcast %reduce_max3A_215 : i1 to vector<16xi1>
    %reduce_max3A_217 = arith.constant -2147483648 : i32
    %reduce_max3A_218 = vector.broadcast %reduce_max3A_217 : i32 to vector<16xi32>
    %reduce_max3A_219 = arith.xori %select_n3A_214, %reduce_max3A_218 : vector<16xi32>
    %reduce_max3A_220 = tpu.scan <max>, %reduce_max3A_219 masked %reduce_max3A_216 : vector<16xi32>, vector<16xi1> -> vector<16xi32>
    %reduce_max3A_221 = arith.xori %reduce_max3A_220, %reduce_max3A_218 : vector<16xi32>
    %reduce_max3A_222 = vector.extract %reduce_max3A_221[15] : i32 from vector<16xi32>
    %jit3A_223 = arith.constant 8 : i32
    %div3A_224 = arith.divsi %reduce_max3A_222, %jit3A_223 : i32
    %sign3A_225 = arith.constant 0 : i32
    %sign3A_226 = arith.cmpi sgt, %reduce_max3A_222, %sign3A_225 : i32
    %sign3A_227 = arith.extui %sign3A_226 : i1 to i32
    %sign3A_228 = arith.constant 0 : i32
    %sign3A_229 = arith.cmpi slt, %reduce_max3A_222, %sign3A_228 : i32
    %sign3A_230 = arith.extui %sign3A_229 : i1 to i32
    %sign3A_231 = arith.subi %sign3A_227, %sign3A_230 : i32
    %sign3A_232 = arith.constant 0 : i32
    %sign3A_233 = arith.cmpi sgt, %jit3A_223, %sign3A_232 : i32
    %sign3A_234 = arith.extui %sign3A_233 : i1 to i32
    %sign3A_235 = arith.constant 0 : i32
    %sign3A_236 = arith.cmpi slt, %jit3A_223, %sign3A_235 : i32
    %sign3A_237 = arith.extui %sign3A_236 : i1 to i32
    %sign3A_238 = arith.subi %sign3A_234, %sign3A_237 : i32
    %ne3A_239 = arith.cmpi ne, %sign3A_231, %sign3A_238 : i32
    %rem3A_240 = arith.remsi %reduce_max3A_222, %jit3A_223 : i32
    %ne3A_241 = arith.constant 0 : i32
    %ne3A_242 = arith.cmpi ne, %rem3A_240, %ne3A_241 : i32
    %and3A_243 = arith.andi %ne3A_239, %ne3A_242 : i1
    %sub3A_244 = arith.constant 1 : i32
    %sub3A_245 = arith.subi %div3A_224, %sub3A_244 : i32
    %select_n3A_246 = arith.select %and3A_243, %sub3A_245, %div3A_224 : i32
    %mul3A_247 = arith.constant 8 : i32
    %mul3A_248 = arith.muli %select_n3A_246, %mul3A_247 : i32
    %multiple_of3A_249 = tpu.assume_multiple %mul3A_248, 8 : i32
    %dma_start3A_250 = arith.constant 2 : i32
    %dma_start3A_251 = arith.constant 0 : i32
    %dma_start3A_252 = arith.constant 0 : i32
    %dma_start3A_253 = tpu.memref_slice %arg6[%dma_start3A_250, %dma_start3A_251, %dma_start3A_252] : memref<4x8x128xf32, #tpu.memory_space<vmem>> -> memref<1x8x128xf32, #tpu.memory_space<vmem>>
    %dma_start3A_254 = tpu.memref_squeeze %dma_start3A_253 : memref<1x8x128xf32, #tpu.memory_space<vmem>> -> memref<8x128xf32, #tpu.memory_space<vmem>>
    %dma_start3A_255 = arith.constant 0 : i32
    %dma_start3A_256 = tpu.memref_slice %arg2[%multiple_of3A_249, %dma_start3A_255] : memref<100000x128xf32, #tpu.memory_space<hbm>> -> memref<8x128xf32, #tpu.memory_space<hbm>>
    %dma_start3A_257 = arith.constant 0 : i32
    %dma_start3A_258 = arith.constant 0 : i32
    %dma_start3A_259 = tpu.memref_slice %arg6[%dma_start3A_250, %dma_start3A_257, %dma_start3A_258] : memref<4x8x128xf32, #tpu.memory_space<vmem>> -> memref<1x8x128xf32, #tpu.memory_space<vmem>>
    %dma_start3A_260 = tpu.memref_squeeze %dma_start3A_259 : memref<1x8x128xf32, #tpu.memory_space<vmem>> -> memref<8x128xf32, #tpu.memory_space<vmem>>
    %dma_start3A_261 = arith.constant 0 : i32
    %dma_start3A_262 = tpu.memref_slice %arg2[%multiple_of3A_249, %dma_start3A_261] : memref<100000x128xf32, #tpu.memory_space<hbm>> -> memref<8x128xf32, #tpu.memory_space<hbm>>
    tpu.enqueue_dma source(%dma_start3A_262 : memref<8x128xf32, #tpu.memory_space<hbm>>) target(%dma_start3A_260 : memref<8x128xf32, #tpu.memory_space<vmem>>) target_semaphore(%arg8 : memref<!tpu.dma_semaphore, #tpu.memory_space<semaphore_mem>>)
    %jit3A_263 = arith.constant 16 : i32
    %div3A_264 = arith.divsi %mul3A_2, %jit3A_263 : i32
    %sign3A_265 = arith.constant 0 : i32
    %sign3A_266 = arith.cmpi sgt, %mul3A_2, %sign3A_265 : i32
    %sign3A_267 = arith.extui %sign3A_266 : i1 to i32
    %sign3A_268 = arith.constant 0 : i32
    %sign3A_269 = arith.cmpi slt, %mul3A_2, %sign3A_268 : i32
    %sign3A_270 = arith.extui %sign3A_269 : i1 to i32
    %sign3A_271 = arith.subi %sign3A_267, %sign3A_270 : i32
    %sign3A_272 = arith.constant 0 : i32
    %sign3A_273 = arith.cmpi sgt, %jit3A_263, %sign3A_272 : i32
    %sign3A_274 = arith.extui %sign3A_273 : i1 to i32
    %sign3A_275 = arith.constant 0 : i32
    %sign3A_276 = arith.cmpi slt, %jit3A_263, %sign3A_275 : i32
    %sign3A_277 = arith.extui %sign3A_276 : i1 to i32
    %sign3A_278 = arith.subi %sign3A_274, %sign3A_277 : i32
    %ne3A_279 = arith.cmpi ne, %sign3A_271, %sign3A_278 : i32
    %rem3A_280 = arith.remsi %mul3A_2, %jit3A_263 : i32
    %ne3A_281 = arith.constant 0 : i32
    %ne3A_282 = arith.cmpi ne, %rem3A_280, %ne3A_281 : i32
    %and3A_283 = arith.andi %ne3A_279, %ne3A_282 : i1
    %sub3A_284 = arith.constant 1 : i32
    %sub3A_285 = arith.subi %div3A_264, %sub3A_284 : i32
    %select_n3A_286 = arith.select %and3A_283, %sub3A_285, %div3A_264 : i32
    %mul3A_287 = arith.constant 16 : i32
    %mul3A_288 = arith.muli %select_n3A_286, %mul3A_287 : i32
    %sub3A_289 = arith.subi %mul3A_2, %mul3A_288 : i32
    %add3A_290 = arith.constant 3 : i32
    %add3A_291 = arith.addi %sub3A_289, %add3A_290 : i32
    %eq3A_292 = vector.broadcast %add3A_291 : i32 to vector<16xi32>
    %eq3A_293 = arith.cmpi eq, %iota3A, %eq3A_292 : vector<16xi32>
    %jit3A_294 = arith.constant 0 : i32
    %broadcast_in_dim3A_295 = vector.broadcast %jit3A_294 : i32 to vector<16xi32>
    %select_n3A_296 = arith.select %eq3A_293, %get3A_21, %broadcast_in_dim3A_295 : vector<16xi1>, vector<16xi32>
    %reduce_max3A_297 = arith.constant true
    %reduce_max3A_298 = vector.broadcast %reduce_max3A_297 : i1 to vector<16xi1>
    %reduce_max3A_299 = arith.constant -2147483648 : i32
    %reduce_max3A_300 = vector.broadcast %reduce_max3A_299 : i32 to vector<16xi32>
    %reduce_max3A_301 = arith.xori %select_n3A_296, %reduce_max3A_300 : vector<16xi32>
    %reduce_max3A_302 = tpu.scan <max>, %reduce_max3A_301 masked %reduce_max3A_298 : vector<16xi32>, vector<16xi1> -> vector<16xi32>
    %reduce_max3A_303 = arith.xori %reduce_max3A_302, %reduce_max3A_300 : vector<16xi32>
    %reduce_max3A_304 = vector.extract %reduce_max3A_303[15] : i32 from vector<16xi32>
    %jit3A_305 = arith.constant 8 : i32
    %div3A_306 = arith.divsi %reduce_max3A_304, %jit3A_305 : i32
    %sign3A_307 = arith.constant 0 : i32
    %sign3A_308 = arith.cmpi sgt, %reduce_max3A_304, %sign3A_307 : i32
    %sign3A_309 = arith.extui %sign3A_308 : i1 to i32
    %sign3A_310 = arith.constant 0 : i32
    %sign3A_311 = arith.cmpi slt, %reduce_max3A_304, %sign3A_310 : i32
    %sign3A_312 = arith.extui %sign3A_311 : i1 to i32
    %sign3A_313 = arith.subi %sign3A_309, %sign3A_312 : i32
    %sign3A_314 = arith.constant 0 : i32
    %sign3A_315 = arith.cmpi sgt, %jit3A_305, %sign3A_314 : i32
    %sign3A_316 = arith.extui %sign3A_315 : i1 to i32
    %sign3A_317 = arith.constant 0 : i32
    %sign3A_318 = arith.cmpi slt, %jit3A_305, %sign3A_317 : i32
    %sign3A_319 = arith.extui %sign3A_318 : i1 to i32
    %sign3A_320 = arith.subi %sign3A_316, %sign3A_319 : i32
    %ne3A_321 = arith.cmpi ne, %sign3A_313, %sign3A_320 : i32
    %rem3A_322 = arith.remsi %reduce_max3A_304, %jit3A_305 : i32
    %ne3A_323 = arith.constant 0 : i32
    %ne3A_324 = arith.cmpi ne, %rem3A_322, %ne3A_323 : i32
    %and3A_325 = arith.andi %ne3A_321, %ne3A_324 : i1
    %sub3A_326 = arith.constant 1 : i32
    %sub3A_327 = arith.subi %div3A_306, %sub3A_326 : i32
    %select_n3A_328 = arith.select %and3A_325, %sub3A_327, %div3A_306 : i32
    %mul3A_329 = arith.constant 8 : i32
    %mul3A_330 = arith.muli %select_n3A_328, %mul3A_329 : i32
    %multiple_of3A_331 = tpu.assume_multiple %mul3A_330, 8 : i32
    %dma_start3A_332 = arith.constant 3 : i32
    %dma_start3A_333 = arith.constant 0 : i32
    %dma_start3A_334 = arith.constant 0 : i32
    %dma_start3A_335 = tpu.memref_slice %arg6[%dma_start3A_332, %dma_start3A_333, %dma_start3A_334] : memref<4x8x128xf32, #tpu.memory_space<vmem>> -> memref<1x8x128xf32, #tpu.memory_space<vmem>>
    %dma_start3A_336 = tpu.memref_squeeze %dma_start3A_335 : memref<1x8x128xf32, #tpu.memory_space<vmem>> -> memref<8x128xf32, #tpu.memory_space<vmem>>
    %dma_start3A_337 = arith.constant 0 : i32
    %dma_start3A_338 = tpu.memref_slice %arg2[%multiple_of3A_331, %dma_start3A_337] : memref<100000x128xf32, #tpu.memory_space<hbm>> -> memref<8x128xf32, #tpu.memory_space<hbm>>
    %dma_start3A_339 = arith.constant 0 : i32
    %dma_start3A_340 = arith.constant 0 : i32
    %dma_start3A_341 = tpu.memref_slice %arg6[%dma_start3A_332, %dma_start3A_339, %dma_start3A_340] : memref<4x8x128xf32, #tpu.memory_space<vmem>> -> memref<1x8x128xf32, #tpu.memory_space<vmem>>
    %dma_start3A_342 = tpu.memref_squeeze %dma_start3A_341 : memref<1x8x128xf32, #tpu.memory_space<vmem>> -> memref<8x128xf32, #tpu.memory_space<vmem>>
    %dma_start3A_343 = arith.constant 0 : i32
    %dma_start3A_344 = tpu.memref_slice %arg2[%multiple_of3A_331, %dma_start3A_343] : memref<100000x128xf32, #tpu.memory_space<hbm>> -> memref<8x128xf32, #tpu.memory_space<hbm>>
    tpu.enqueue_dma source(%dma_start3A_344 : memref<8x128xf32, #tpu.memory_space<hbm>>) target(%dma_start3A_342 : memref<8x128xf32, #tpu.memory_space<vmem>>) target_semaphore(%arg8 : memref<!tpu.dma_semaphore, #tpu.memory_space<semaphore_mem>>)
    %broadcast_in_dim3A_345 = arith.constant 0.000000e+00 : f32
    %broadcast_in_dim3A_346 = vector.broadcast %broadcast_in_dim3A_345 : f32 to vector<16xf32>
    %dma_wait3A = arith.constant 0 : i32
    %dma_wait3A_347 = arith.constant 0 : i32
    %dma_wait3A_348 = arith.constant 0 : i32
    %dma_wait3A_349 = tpu.memref_slice %arg6[%dma_wait3A, %dma_wait3A_347, %dma_wait3A_348] : memref<4x8x128xf32, #tpu.memory_space<vmem>> -> memref<1x8x128xf32, #tpu.memory_space<vmem>>
    %dma_wait3A_350 = tpu.memref_squeeze %dma_wait3A_349 : memref<1x8x128xf32, #tpu.memory_space<vmem>> -> memref<8x128xf32, #tpu.memory_space<vmem>>
    %dma_wait3A_351 = arith.constant 0 : i32
    %dma_wait3A_352 = tpu.memref_slice %arg2[%multiple_of3A, %dma_wait3A_351] : memref<100000x128xf32, #tpu.memory_space<hbm>> -> memref<8x128xf32, #tpu.memory_space<hbm>>
    %dma_wait3A_353 = arith.constant 0 : i32
    %dma_wait3A_354 = arith.constant 0 : i32
    %dma_wait3A_355 = tpu.memref_slice %arg6[%dma_wait3A, %dma_wait3A_353, %dma_wait3A_354] : memref<4x8x128xf32, #tpu.memory_space<vmem>> -> memref<1x8x128xf32, #tpu.memory_space<vmem>>
    %dma_wait3A_356 = tpu.memref_squeeze %dma_wait3A_355 : memref<1x8x128xf32, #tpu.memory_space<vmem>> -> memref<8x128xf32, #tpu.memory_space<vmem>>
    %dma_wait3A_357 = arith.constant 0 : i32
    %dma_wait3A_358 = tpu.memref_slice %arg2[%multiple_of3A, %dma_wait3A_357] : memref<100000x128xf32, #tpu.memory_space<hbm>> -> memref<8x128xf32, #tpu.memory_space<hbm>>
    tpu.wait_dma2 semaphore(%arg8 : memref<!tpu.dma_semaphore, #tpu.memory_space<semaphore_mem>>) src(%dma_wait3A_358 : memref<8x128xf32, #tpu.memory_space<hbm>>) dst(%dma_wait3A_356 : memref<8x128xf32, #tpu.memory_space<vmem>>)
    %add3A_359 = arith.constant 0 : i32
    %add3A_360 = arith.addi %mul3A_2, %add3A_359 : i32
    %jit3A_361 = arith.constant 8 : i32
    %div3A_362 = arith.divsi %reduce_max3A_60, %jit3A_361 : i32
    %sign3A_363 = arith.constant 0 : i32
    %sign3A_364 = arith.cmpi sgt, %reduce_max3A_60, %sign3A_363 : i32
    %sign3A_365 = arith.extui %sign3A_364 : i1 to i32
    %sign3A_366 = arith.constant 0 : i32
    %sign3A_367 = arith.cmpi slt, %reduce_max3A_60, %sign3A_366 : i32
    %sign3A_368 = arith.extui %sign3A_367 : i1 to i32
    %sign3A_369 = arith.subi %sign3A_365, %sign3A_368 : i32
    %sign3A_370 = arith.constant 0 : i32
    %sign3A_371 = arith.cmpi sgt, %jit3A_361, %sign3A_370 : i32
    %sign3A_372 = arith.extui %sign3A_371 : i1 to i32
    %sign3A_373 = arith.constant 0 : i32
    %sign3A_374 = arith.cmpi slt, %jit3A_361, %sign3A_373 : i32
    %sign3A_375 = arith.extui %sign3A_374 : i1 to i32
    %sign3A_376 = arith.subi %sign3A_372, %sign3A_375 : i32
    %ne3A_377 = arith.cmpi ne, %sign3A_369, %sign3A_376 : i32
    %rem3A_378 = arith.remsi %reduce_max3A_60, %jit3A_361 : i32
    %ne3A_379 = arith.constant 0 : i32
    %ne3A_380 = arith.cmpi ne, %rem3A_378, %ne3A_379 : i32
    %and3A_381 = arith.andi %ne3A_377, %ne3A_380 : i1
    %sub3A_382 = arith.constant 1 : i32
    %sub3A_383 = arith.subi %div3A_362, %sub3A_382 : i32
    %select_n3A_384 = arith.select %and3A_381, %sub3A_383, %div3A_362 : i32
    %mul3A_385 = arith.constant 8 : i32
    %mul3A_386 = arith.muli %select_n3A_384, %mul3A_385 : i32
    %sub3A_387 = arith.subi %reduce_max3A_60, %mul3A_386 : i32
    %jit3A_388 = arith.constant 16 : i32
    %div3A_389 = arith.divsi %add3A_360, %jit3A_388 : i32
    %sign3A_390 = arith.constant 0 : i32
    %sign3A_391 = arith.cmpi sgt, %add3A_360, %sign3A_390 : i32
    %sign3A_392 = arith.extui %sign3A_391 : i1 to i32
    %sign3A_393 = arith.constant 0 : i32
    %sign3A_394 = arith.cmpi slt, %add3A_360, %sign3A_393 : i32
    %sign3A_395 = arith.extui %sign3A_394 : i1 to i32
    %sign3A_396 = arith.subi %sign3A_392, %sign3A_395 : i32
    %sign3A_397 = arith.constant 0 : i32
    %sign3A_398 = arith.cmpi sgt, %jit3A_388, %sign3A_397 : i32
    %sign3A_399 = arith.extui %sign3A_398 : i1 to i32
    %sign3A_400 = arith.constant 0 : i32
    %sign3A_401 = arith.cmpi slt, %jit3A_388, %sign3A_400 : i32
    %sign3A_402 = arith.extui %sign3A_401 : i1 to i32
    %sign3A_403 = arith.subi %sign3A_399, %sign3A_402 : i32
    %ne3A_404 = arith.cmpi ne, %sign3A_396, %sign3A_403 : i32
    %rem3A_405 = arith.remsi %add3A_360, %jit3A_388 : i32
    %ne3A_406 = arith.constant 0 : i32
    %ne3A_407 = arith.cmpi ne, %rem3A_405, %ne3A_406 : i32
    %and3A_408 = arith.andi %ne3A_404, %ne3A_407 : i1
    %sub3A_409 = arith.constant 1 : i32
    %sub3A_410 = arith.subi %div3A_389, %sub3A_409 : i32
    %select_n3A_411 = arith.select %and3A_408, %sub3A_410, %div3A_389 : i32
    %mul3A_412 = arith.constant 16 : i32
    %mul3A_413 = arith.muli %select_n3A_411, %mul3A_412 : i32
    %get3A_414 = arith.constant 0 : i32
    %get3A_415 = arith.constant 0 : i32
    %get3A_416 = arith.index_cast %get3A_414 : i32 to index
    %get3A_417 = arith.index_cast %get3A_415 : i32 to index
    %get3A_418 = arith.index_cast %mul3A_413 : i32 to index
    %get3A_419 = tpu.vector_load %arg6[%get3A_416, %get3A_417, %get3A_418] {strides = array<i32>} : memref<4x8x128xf32, #tpu.memory_space<vmem>>, vector<16xf32>,
    %jit3A_420 = arith.constant 16 : i32
    %eq3A_421 = arith.constant 0 : i32
    %eq3A_422 = arith.cmpi eq, %jit3A_420, %eq3A_421 : i32
    %jit3A_423 = arith.constant 1 : i32
    %select_n3A_424 = arith.select %eq3A_422, %jit3A_423, %jit3A_420 : i32
    %rem3A_425 = arith.remsi %add3A_360, %select_n3A_424 : i32
    %ne3A_426 = arith.constant 0 : i32
    %ne3A_427 = arith.cmpi ne, %rem3A_425, %ne3A_426 : i32
    %lt3A = arith.constant 0 : i32
    %lt3A_428 = arith.cmpi slt, %rem3A_425, %lt3A : i32
    %lt3A_429 = arith.constant 0 : i32
    %lt3A_430 = arith.cmpi slt, %select_n3A_424, %lt3A_429 : i32
    %ne3A_431 = arith.xori %lt3A_428, %lt3A_430 : i1
    %and3A_432 = arith.andi %ne3A_431, %ne3A_427 : i1
    %add3A_433 = arith.addi %rem3A_425, %select_n3A_424 : i32
    %select_n3A_434 = arith.select %and3A_432, %add3A_433, %rem3A_425 : i32
    %eq3A_435 = vector.broadcast %select_n3A_434 : i32 to vector<16xi32>
    %eq3A_436 = arith.cmpi eq, %iota3A, %eq3A_435 : vector<16xi32>
    %jit3A_437 = arith.constant -3.000000e+38 : f32
    %broadcast_in_dim3A_438 = vector.broadcast %jit3A_437 : f32 to vector<16xf32>
    %select_n3A_439 = arith.select %eq3A_436, %get3A_419, %broadcast_in_dim3A_438 : vector<16xi1>, vector<16xf32>
    %reduce_max3A_440 = arith.constant true
    %reduce_max3A_441 = vector.broadcast %reduce_max3A_440 : i1 to vector<16xi1>
    %reduce_max3A_442 = tpu.scan <max>, %select_n3A_439 masked %reduce_max3A_441 : vector<16xf32>, vector<16xi1> -> vector<16xf32>
    %reduce_max3A_443 = vector.extract %reduce_max3A_442[15] : f32 from vector<16xf32>
    %eq3A_444 = arith.constant 0 : i32
    %eq3A_445 = arith.cmpi eq, %sub3A_387, %eq3A_444 : i32
    %jit3A_446 = arith.constant -3.000000e+38 : f32
    %select_n3A_447 = arith.select %eq3A_445, %reduce_max3A_443, %jit3A_446 : f32
    %jit3A_448 = arith.constant 16 : i32
    %div3A_449 = arith.divsi %add3A_360, %jit3A_448 : i32
    %sign3A_450 = arith.constant 0 : i32
    %sign3A_451 = arith.cmpi sgt, %add3A_360, %sign3A_450 : i32
    %sign3A_452 = arith.extui %sign3A_451 : i1 to i32
    %sign3A_453 = arith.constant 0 : i32
    %sign3A_454 = arith.cmpi slt, %add3A_360, %sign3A_453 : i32
    %sign3A_455 = arith.extui %sign3A_454 : i1 to i32
    %sign3A_456 = arith.subi %sign3A_452, %sign3A_455 : i32
    %sign3A_457 = arith.constant 0 : i32
    %sign3A_458 = arith.cmpi sgt, %jit3A_448, %sign3A_457 : i32
    %sign3A_459 = arith.extui %sign3A_458 : i1 to i32
    %sign3A_460 = arith.constant 0 : i32
    %sign3A_461 = arith.cmpi slt, %jit3A_448, %sign3A_460 : i32
    %sign3A_462 = arith.extui %sign3A_461 : i1 to i32
    %sign3A_463 = arith.subi %sign3A_459, %sign3A_462 : i32
    %ne3A_464 = arith.cmpi ne, %sign3A_456, %sign3A_463 : i32
    %rem3A_465 = arith.remsi %add3A_360, %jit3A_448 : i32
    %ne3A_466 = arith.constant 0 : i32
    %ne3A_467 = arith.cmpi ne, %rem3A_465, %ne3A_466 : i32
    %and3A_468 = arith.andi %ne3A_464, %ne3A_467 : i1
    %sub3A_469 = arith.constant 1 : i32
    %sub3A_470 = arith.subi %div3A_449, %sub3A_469 : i32
    %select_n3A_471 = arith.select %and3A_468, %sub3A_470, %div3A_449 : i32
    %mul3A_472 = arith.constant 16 : i32
    %mul3A_473 = arith.muli %select_n3A_471, %mul3A_472 : i32
    %get3A_474 = arith.constant 0 : i32
    %get3A_475 = arith.constant 1 : i32
    %get3A_476 = arith.index_cast %get3A_474 : i32 to index
    %get3A_477 = arith.index_cast %get3A_475 : i32 to index
    %get3A_478 = arith.index_cast %mul3A_473 : i32 to index
    %get3A_479 = tpu.vector_load %arg6[%get3A_476, %get3A_477, %get3A_478] {strides = array<i32>} : memref<4x8x128xf32, #tpu.memory_space<vmem>>, vector<16xf32>,
    %jit3A_480 = arith.constant 16 : i32
    %eq3A_481 = arith.constant 0 : i32
    %eq3A_482 = arith.cmpi eq, %jit3A_480, %eq3A_481 : i32
    %jit3A_483 = arith.constant 1 : i32
    %select_n3A_484 = arith.select %eq3A_482, %jit3A_483, %jit3A_480 : i32
    %rem3A_485 = arith.remsi %add3A_360, %select_n3A_484 : i32
    %ne3A_486 = arith.constant 0 : i32
    %ne3A_487 = arith.cmpi ne, %rem3A_485, %ne3A_486 : i32
    %lt3A_488 = arith.constant 0 : i32
    %lt3A_489 = arith.cmpi slt, %rem3A_485, %lt3A_488 : i32
    %lt3A_490 = arith.constant 0 : i32
    %lt3A_491 = arith.cmpi slt, %select_n3A_484, %lt3A_490 : i32
    %ne3A_492 = arith.xori %lt3A_489, %lt3A_491 : i1
    %and3A_493 = arith.andi %ne3A_492, %ne3A_487 : i1
    %add3A_494 = arith.addi %rem3A_485, %select_n3A_484 : i32
    %select_n3A_495 = arith.select %and3A_493, %add3A_494, %rem3A_485 : i32
    %eq3A_496 = vector.broadcast %select_n3A_495 : i32 to vector<16xi32>
    %eq3A_497 = arith.cmpi eq, %iota3A, %eq3A_496 : vector<16xi32>
    %jit3A_498 = arith.constant -3.000000e+38 : f32
    %broadcast_in_dim3A_499 = vector.broadcast %jit3A_498 : f32 to vector<16xf32>
    %select_n3A_500 = arith.select %eq3A_497, %get3A_479, %broadcast_in_dim3A_499 : vector<16xi1>, vector<16xf32>
    %reduce_max3A_501 = arith.constant true
    %reduce_max3A_502 = vector.broadcast %reduce_max3A_501 : i1 to vector<16xi1>
    %reduce_max3A_503 = tpu.scan <max>, %select_n3A_500 masked %reduce_max3A_502 : vector<16xf32>, vector<16xi1> -> vector<16xf32>
    %reduce_max3A_504 = vector.extract %reduce_max3A_503[15] : f32 from vector<16xf32>
    %eq3A_505 = arith.constant 1 : i32
    %eq3A_506 = arith.cmpi eq, %sub3A_387, %eq3A_505 : i32
    %select_n3A_507 = arith.select %eq3A_506, %reduce_max3A_504, %select_n3A_447 : f32
    %jit3A_508 = arith.constant 16 : i32
    %div3A_509 = arith.divsi %add3A_360, %jit3A_508 : i32
    %sign3A_510 = arith.constant 0 : i32
    %sign3A_511 = arith.cmpi sgt, %add3A_360, %sign3A_510 : i32
    %sign3A_512 = arith.extui %sign3A_511 : i1 to i32
    %sign3A_513 = arith.constant 0 : i32
    %sign3A_514 = arith.cmpi slt, %add3A_360, %sign3A_513 : i32
    %sign3A_515 = arith.extui %sign3A_514 : i1 to i32
    %sign3A_516 = arith.subi %sign3A_512, %sign3A_515 : i32
    %sign3A_517 = arith.constant 0 : i32
    %sign3A_518 = arith.cmpi sgt, %jit3A_508, %sign3A_517 : i32
    %sign3A_519 = arith.extui %sign3A_518 : i1 to i32
    %sign3A_520 = arith.constant 0 : i32
    %sign3A_521 = arith.cmpi slt, %jit3A_508, %sign3A_520 : i32
    %sign3A_522 = arith.extui %sign3A_521 : i1 to i32
    %sign3A_523 = arith.subi %sign3A_519, %sign3A_522 : i32
    %ne3A_524 = arith.cmpi ne, %sign3A_516, %sign3A_523 : i32
    %rem3A_525 = arith.remsi %add3A_360, %jit3A_508 : i32
    %ne3A_526 = arith.constant 0 : i32
    %ne3A_527 = arith.cmpi ne, %rem3A_525, %ne3A_526 : i32
    %and3A_528 = arith.andi %ne3A_524, %ne3A_527 : i1
    %sub3A_529 = arith.constant 1 : i32
    %sub3A_530 = arith.subi %div3A_509, %sub3A_529 : i32
    %select_n3A_531 = arith.select %and3A_528, %sub3A_530, %div3A_509 : i32
    %mul3A_532 = arith.constant 16 : i32
    %mul3A_533 = arith.muli %select_n3A_531, %mul3A_532 : i32
    %get3A_534 = arith.constant 0 : i32
    %get3A_535 = arith.constant 2 : i32
    %get3A_536 = arith.index_cast %get3A_534 : i32 to index
    %get3A_537 = arith.index_cast %get3A_535 : i32 to index
    %get3A_538 = arith.index_cast %mul3A_533 : i32 to index
    %get3A_539 = tpu.vector_load %arg6[%get3A_536, %get3A_537, %get3A_538] {strides = array<i32>} : memref<4x8x128xf32, #tpu.memory_space<vmem>>, vector<16xf32>,
    %jit3A_540 = arith.constant 16 : i32
    %eq3A_541 = arith.constant 0 : i32
    %eq3A_542 = arith.cmpi eq, %jit3A_540, %eq3A_541 : i32
    %jit3A_543 = arith.constant 1 : i32
    %select_n3A_544 = arith.select %eq3A_542, %jit3A_543, %jit3A_540 : i32
    %rem3A_545 = arith.remsi %add3A_360, %select_n3A_544 : i32
    %ne3A_546 = arith.constant 0 : i32
    %ne3A_547 = arith.cmpi ne, %rem3A_545, %ne3A_546 : i32
    %lt3A_548 = arith.constant 0 : i32
    %lt3A_549 = arith.cmpi slt, %rem3A_545, %lt3A_548 : i32
    %lt3A_550 = arith.constant 0 : i32
    %lt3A_551 = arith.cmpi slt, %select_n3A_544, %lt3A_550 : i32
    %ne3A_552 = arith.xori %lt3A_549, %lt3A_551 : i1
    %and3A_553 = arith.andi %ne3A_552, %ne3A_547 : i1
    %add3A_554 = arith.addi %rem3A_545, %select_n3A_544 : i32
    %select_n3A_555 = arith.select %and3A_553, %add3A_554, %rem3A_545 : i32
    %eq3A_556 = vector.broadcast %select_n3A_555 : i32 to vector<16xi32>
    %eq3A_557 = arith.cmpi eq, %iota3A, %eq3A_556 : vector<16xi32>
    %jit3A_558 = arith.constant -3.000000e+38 : f32
    %broadcast_in_dim3A_559 = vector.broadcast %jit3A_558 : f32 to vector<16xf32>
    %select_n3A_560 = arith.select %eq3A_557, %get3A_539, %broadcast_in_dim3A_559 : vector<16xi1>, vector<16xf32>
    %reduce_max3A_561 = arith.constant true
    %reduce_max3A_562 = vector.broadcast %reduce_max3A_561 : i1 to vector<16xi1>
    %reduce_max3A_563 = tpu.scan <max>, %select_n3A_560 masked %reduce_max3A_562 : vector<16xf32>, vector<16xi1> -> vector<16xf32>
    %reduce_max3A_564 = vector.extract %reduce_max3A_563[15] : f32 from vector<16xf32>
    %eq3A_565 = arith.constant 2 : i32
    %eq3A_566 = arith.cmpi eq, %sub3A_387, %eq3A_565 : i32
    %select_n3A_567 = arith.select %eq3A_566, %reduce_max3A_564, %select_n3A_507 : f32
    %jit3A_568 = arith.constant 16 : i32
    %div3A_569 = arith.divsi %add3A_360, %jit3A_568 : i32
    %sign3A_570 = arith.constant 0 : i32
    %sign3A_571 = arith.cmpi sgt, %add3A_360, %sign3A_570 : i32
    %sign3A_572 = arith.extui %sign3A_571 : i1 to i32
    %sign3A_573 = arith.constant 0 : i32
    %sign3A_574 = arith.cmpi slt, %add3A_360, %sign3A_573 : i32
    %sign3A_575 = arith.extui %sign3A_574 : i1 to i32
    %sign3A_576 = arith.subi %sign3A_572, %sign3A_575 : i32
    %sign3A_577 = arith.constant 0 : i32
    %sign3A_578 = arith.cmpi sgt, %jit3A_568, %sign3A_577 : i32
    %sign3A_579 = arith.extui %sign3A_578 : i1 to i32
    %sign3A_580 = arith.constant 0 : i32
    %sign3A_581 = arith.cmpi slt, %jit3A_568, %sign3A_580 : i32
    %sign3A_582 = arith.extui %sign3A_581 : i1 to i32
    %sign3A_583 = arith.subi %sign3A_579, %sign3A_582 : i32
    %ne3A_584 = arith.cmpi ne, %sign3A_576, %sign3A_583 : i32
    %rem3A_585 = arith.remsi %add3A_360, %jit3A_568 : i32
    %ne3A_586 = arith.constant 0 : i32
    %ne3A_587 = arith.cmpi ne, %rem3A_585, %ne3A_586 : i32
    %and3A_588 = arith.andi %ne3A_584, %ne3A_587 : i1
    %sub3A_589 = arith.constant 1 : i32
    %sub3A_590 = arith.subi %div3A_569, %sub3A_589 : i32
    %select_n3A_591 = arith.select %and3A_588, %sub3A_590, %div3A_569 : i32
    %mul3A_592 = arith.constant 16 : i32
    %mul3A_593 = arith.muli %select_n3A_591, %mul3A_592 : i32
    %get3A_594 = arith.constant 0 : i32
    %get3A_595 = arith.constant 3 : i32
    %get3A_596 = arith.index_cast %get3A_594 : i32 to index
    %get3A_597 = arith.index_cast %get3A_595 : i32 to index
    %get3A_598 = arith.index_cast %mul3A_593 : i32 to index
    %get3A_599 = tpu.vector_load %arg6[%get3A_596, %get3A_597, %get3A_598] {strides = array<i32>} : memref<4x8x128xf32, #tpu.memory_space<vmem>>, vector<16xf32>,
    %jit3A_600 = arith.constant 16 : i32
    %eq3A_601 = arith.constant 0 : i32
    %eq3A_602 = arith.cmpi eq, %jit3A_600, %eq3A_601 : i32
    %jit3A_603 = arith.constant 1 : i32
    %select_n3A_604 = arith.select %eq3A_602, %jit3A_603, %jit3A_600 : i32
    %rem3A_605 = arith.remsi %add3A_360, %select_n3A_604 : i32
    %ne3A_606 = arith.constant 0 : i32
    %ne3A_607 = arith.cmpi ne, %rem3A_605, %ne3A_606 : i32
    %lt3A_608 = arith.constant 0 : i32
    %lt3A_609 = arith.cmpi slt, %rem3A_605, %lt3A_608 : i32
    %lt3A_610 = arith.constant 0 : i32
    %lt3A_611 = arith.cmpi slt, %select_n3A_604, %lt3A_610 : i32
    %ne3A_612 = arith.xori %lt3A_609, %lt3A_611 : i1
    %and3A_613 = arith.andi %ne3A_612, %ne3A_607 : i1
    %add3A_614 = arith.addi %rem3A_605, %select_n3A_604 : i32
    %select_n3A_615 = arith.select %and3A_613, %add3A_614, %rem3A_605 : i32
    %eq3A_616 = vector.broadcast %select_n3A_615 : i32 to vector<16xi32>
    %eq3A_617 = arith.cmpi eq, %iota3A, %eq3A_616 : vector<16xi32>
    %jit3A_618 = arith.constant -3.000000e+38 : f32
    %broadcast_in_dim3A_619 = vector.broadcast %jit3A_618 : f32 to vector<16xf32>
    %select_n3A_620 = arith.select %eq3A_617, %get3A_599, %broadcast_in_dim3A_619 : vector<16xi1>, vector<16xf32>
    %reduce_max3A_621 = arith.constant true
    %reduce_max3A_622 = vector.broadcast %reduce_max3A_621 : i1 to vector<16xi1>
    %reduce_max3A_623 = tpu.scan <max>, %select_n3A_620 masked %reduce_max3A_622 : vector<16xf32>, vector<16xi1> -> vector<16xf32>
    %reduce_max3A_624 = vector.extract %reduce_max3A_623[15] : f32 from vector<16xf32>
    %eq3A_625 = arith.constant 3 : i32
    %eq3A_626 = arith.cmpi eq, %sub3A_387, %eq3A_625 : i32
    %select_n3A_627 = arith.select %eq3A_626, %reduce_max3A_624, %select_n3A_567 : f32
    %jit3A_628 = arith.constant 16 : i32
    %div3A_629 = arith.divsi %add3A_360, %jit3A_628 : i32
    %sign3A_630 = arith.constant 0 : i32
    %sign3A_631 = arith.cmpi sgt, %add3A_360, %sign3A_630 : i32
    %sign3A_632 = arith.extui %sign3A_631 : i1 to i32
    %sign3A_633 = arith.constant 0 : i32
    %sign3A_634 = arith.cmpi slt, %add3A_360, %sign3A_633 : i32
    %sign3A_635 = arith.extui %sign3A_634 : i1 to i32
    %sign3A_636 = arith.subi %sign3A_632, %sign3A_635 : i32
    %sign3A_637 = arith.constant 0 : i32
    %sign3A_638 = arith.cmpi sgt, %jit3A_628, %sign3A_637 : i32
    %sign3A_639 = arith.extui %sign3A_638 : i1 to i32
    %sign3A_640 = arith.constant 0 : i32
    %sign3A_641 = arith.cmpi slt, %jit3A_628, %sign3A_640 : i32
    %sign3A_642 = arith.extui %sign3A_641 : i1 to i32
    %sign3A_643 = arith.subi %sign3A_639, %sign3A_642 : i32
    %ne3A_644 = arith.cmpi ne, %sign3A_636, %sign3A_643 : i32
    %rem3A_645 = arith.remsi %add3A_360, %jit3A_628 : i32
    %ne3A_646 = arith.constant 0 : i32
    %ne3A_647 = arith.cmpi ne, %rem3A_645, %ne3A_646 : i32
    %and3A_648 = arith.andi %ne3A_644, %ne3A_647 : i1
    %sub3A_649 = arith.constant 1 : i32
    %sub3A_650 = arith.subi %div3A_629, %sub3A_649 : i32
    %select_n3A_651 = arith.select %and3A_648, %sub3A_650, %div3A_629 : i32
    %mul3A_652 = arith.constant 16 : i32
    %mul3A_653 = arith.muli %select_n3A_651, %mul3A_652 : i32
    %get3A_654 = arith.constant 0 : i32
    %get3A_655 = arith.constant 4 : i32
    %get3A_656 = arith.index_cast %get3A_654 : i32 to index
    %get3A_657 = arith.index_cast %get3A_655 : i32 to index
    %get3A_658 = arith.index_cast %mul3A_653 : i32 to index
    %get3A_659 = tpu.vector_load %arg6[%get3A_656, %get3A_657, %get3A_658] {strides = array<i32>} : memref<4x8x128xf32, #tpu.memory_space<vmem>>, vector<16xf32>,
    %jit3A_660 = arith.constant 16 : i32
    %eq3A_661 = arith.constant 0 : i32
    %eq3A_662 = arith.cmpi eq, %jit3A_660, %eq3A_661 : i32
    %jit3A_663 = arith.constant 1 : i32
    %select_n3A_664 = arith.select %eq3A_662, %jit3A_663, %jit3A_660 : i32
    %rem3A_665 = arith.remsi %add3A_360, %select_n3A_664 : i32
    %ne3A_666 = arith.constant 0 : i32
    %ne3A_667 = arith.cmpi ne, %rem3A_665, %ne3A_666 : i32
    %lt3A_668 = arith.constant 0 : i32
    %lt3A_669 = arith.cmpi slt, %rem3A_665, %lt3A_668 : i32
    %lt3A_670 = arith.constant 0 : i32
    %lt3A_671 = arith.cmpi slt, %select_n3A_664, %lt3A_670 : i32
    %ne3A_672 = arith.xori %lt3A_669, %lt3A_671 : i1
    %and3A_673 = arith.andi %ne3A_672, %ne3A_667 : i1
    %add3A_674 = arith.addi %rem3A_665, %select_n3A_664 : i32
    %select_n3A_675 = arith.select %and3A_673, %add3A_674, %rem3A_665 : i32
    %eq3A_676 = vector.broadcast %select_n3A_675 : i32 to vector<16xi32>
    %eq3A_677 = arith.cmpi eq, %iota3A, %eq3A_676 : vector<16xi32>
    %jit3A_678 = arith.constant -3.000000e+38 : f32
    %broadcast_in_dim3A_679 = vector.broadcast %jit3A_678 : f32 to vector<16xf32>
    %select_n3A_680 = arith.select %eq3A_677, %get3A_659, %broadcast_in_dim3A_679 : vector<16xi1>, vector<16xf32>
    %reduce_max3A_681 = arith.constant true
    %reduce_max3A_682 = vector.broadcast %reduce_max3A_681 : i1 to vector<16xi1>
    %reduce_max3A_683 = tpu.scan <max>, %select_n3A_680 masked %reduce_max3A_682 : vector<16xf32>, vector<16xi1> -> vector<16xf32>
    %reduce_max3A_684 = vector.extract %reduce_max3A_683[15] : f32 from vector<16xf32>
    %eq3A_685 = arith.constant 4 : i32
    %eq3A_686 = arith.cmpi eq, %sub3A_387, %eq3A_685 : i32
    %select_n3A_687 = arith.select %eq3A_686, %reduce_max3A_684, %select_n3A_627 : f32
    %jit3A_688 = arith.constant 16 : i32
    %div3A_689 = arith.divsi %add3A_360, %jit3A_688 : i32
    %sign3A_690 = arith.constant 0 : i32
    %sign3A_691 = arith.cmpi sgt, %add3A_360, %sign3A_690 : i32
    %sign3A_692 = arith.extui %sign3A_691 : i1 to i32
    %sign3A_693 = arith.constant 0 : i32
    %sign3A_694 = arith.cmpi slt, %add3A_360, %sign3A_693 : i32
    %sign3A_695 = arith.extui %sign3A_694 : i1 to i32
    %sign3A_696 = arith.subi %sign3A_692, %sign3A_695 : i32
    %sign3A_697 = arith.constant 0 : i32
    %sign3A_698 = arith.cmpi sgt, %jit3A_688, %sign3A_697 : i32
    %sign3A_699 = arith.extui %sign3A_698 : i1 to i32
    %sign3A_700 = arith.constant 0 : i32
    %sign3A_701 = arith.cmpi slt, %jit3A_688, %sign3A_700 : i32
    %sign3A_702 = arith.extui %sign3A_701 : i1 to i32
    %sign3A_703 = arith.subi %sign3A_699, %sign3A_702 : i32
    %ne3A_704 = arith.cmpi ne, %sign3A_696, %sign3A_703 : i32
    %rem3A_705 = arith.remsi %add3A_360, %jit3A_688 : i32
    %ne3A_706 = arith.constant 0 : i32
    %ne3A_707 = arith.cmpi ne, %rem3A_705, %ne3A_706 : i32
    %and3A_708 = arith.andi %ne3A_704, %ne3A_707 : i1
    %sub3A_709 = arith.constant 1 : i32
    %sub3A_710 = arith.subi %div3A_689, %sub3A_709 : i32
    %select_n3A_711 = arith.select %and3A_708, %sub3A_710, %div3A_689 : i32
    %mul3A_712 = arith.constant 16 : i32
    %mul3A_713 = arith.muli %select_n3A_711, %mul3A_712 : i32
    %get3A_714 = arith.constant 0 : i32
    %get3A_715 = arith.constant 5 : i32
    %get3A_716 = arith.index_cast %get3A_714 : i32 to index
    %get3A_717 = arith.index_cast %get3A_715 : i32 to index
    %get3A_718 = arith.index_cast %mul3A_713 : i32 to index
    %get3A_719 = tpu.vector_load %arg6[%get3A_716, %get3A_717, %get3A_718] {strides = array<i32>} : memref<4x8x128xf32, #tpu.memory_space<vmem>>, vector<16xf32>,
    %jit3A_720 = arith.constant 16 : i32
    %eq3A_721 = arith.constant 0 : i32
    %eq3A_722 = arith.cmpi eq, %jit3A_720, %eq3A_721 : i32
    %jit3A_723 = arith.constant 1 : i32
    %select_n3A_724 = arith.select %eq3A_722, %jit3A_723, %jit3A_720 : i32
    %rem3A_725 = arith.remsi %add3A_360, %select_n3A_724 : i32
    %ne3A_726 = arith.constant 0 : i32
    %ne3A_727 = arith.cmpi ne, %rem3A_725, %ne3A_726 : i32
    %lt3A_728 = arith.constant 0 : i32
    %lt3A_729 = arith.cmpi slt, %rem3A_725, %lt3A_728 : i32
    %lt3A_730 = arith.constant 0 : i32
    %lt3A_731 = arith.cmpi slt, %select_n3A_724, %lt3A_730 : i32
    %ne3A_732 = arith.xori %lt3A_729, %lt3A_731 : i1
    %and3A_733 = arith.andi %ne3A_732, %ne3A_727 : i1
    %add3A_734 = arith.addi %rem3A_725, %select_n3A_724 : i32
    %select_n3A_735 = arith.select %and3A_733, %add3A_734, %rem3A_725 : i32
    %eq3A_736 = vector.broadcast %select_n3A_735 : i32 to vector<16xi32>
    %eq3A_737 = arith.cmpi eq, %iota3A, %eq3A_736 : vector<16xi32>
    %jit3A_738 = arith.constant -3.000000e+38 : f32
    %broadcast_in_dim3A_739 = vector.broadcast %jit3A_738 : f32 to vector<16xf32>
    %select_n3A_740 = arith.select %eq3A_737, %get3A_719, %broadcast_in_dim3A_739 : vector<16xi1>, vector<16xf32>
    %reduce_max3A_741 = arith.constant true
    %reduce_max3A_742 = vector.broadcast %reduce_max3A_741 : i1 to vector<16xi1>
    %reduce_max3A_743 = tpu.scan <max>, %select_n3A_740 masked %reduce_max3A_742 : vector<16xf32>, vector<16xi1> -> vector<16xf32>
    %reduce_max3A_744 = vector.extract %reduce_max3A_743[15] : f32 from vector<16xf32>
    %eq3A_745 = arith.constant 5 : i32
    %eq3A_746 = arith.cmpi eq, %sub3A_387, %eq3A_745 : i32
    %select_n3A_747 = arith.select %eq3A_746, %reduce_max3A_744, %select_n3A_687 : f32
    %jit3A_748 = arith.constant 16 : i32
    %div3A_749 = arith.divsi %add3A_360, %jit3A_748 : i32
    %sign3A_750 = arith.constant 0 : i32
    %sign3A_751 = arith.cmpi sgt, %add3A_360, %sign3A_750 : i32
    %sign3A_752 = arith.extui %sign3A_751 : i1 to i32
    %sign3A_753 = arith.constant 0 : i32
    %sign3A_754 = arith.cmpi slt, %add3A_360, %sign3A_753 : i32
    %sign3A_755 = arith.extui %sign3A_754 : i1 to i32
    %sign3A_756 = arith.subi %sign3A_752, %sign3A_755 : i32
    %sign3A_757 = arith.constant 0 : i32
    %sign3A_758 = arith.cmpi sgt, %jit3A_748, %sign3A_757 : i32
    %sign3A_759 = arith.extui %sign3A_758 : i1 to i32
    %sign3A_760 = arith.constant 0 : i32
    %sign3A_761 = arith.cmpi slt, %jit3A_748, %sign3A_760 : i32
    %sign3A_762 = arith.extui %sign3A_761 : i1 to i32
    %sign3A_763 = arith.subi %sign3A_759, %sign3A_762 : i32
    %ne3A_764 = arith.cmpi ne, %sign3A_756, %sign3A_763 : i32
    %rem3A_765 = arith.remsi %add3A_360, %jit3A_748 : i32
    %ne3A_766 = arith.constant 0 : i32
    %ne3A_767 = arith.cmpi ne, %rem3A_765, %ne3A_766 : i32
    %and3A_768 = arith.andi %ne3A_764, %ne3A_767 : i1
    %sub3A_769 = arith.constant 1 : i32
    %sub3A_770 = arith.subi %div3A_749, %sub3A_769 : i32
    %select_n3A_771 = arith.select %and3A_768, %sub3A_770, %div3A_749 : i32
    %mul3A_772 = arith.constant 16 : i32
    %mul3A_773 = arith.muli %select_n3A_771, %mul3A_772 : i32
    %get3A_774 = arith.constant 0 : i32
    %get3A_775 = arith.constant 6 : i32
    %get3A_776 = arith.index_cast %get3A_774 : i32 to index
    %get3A_777 = arith.index_cast %get3A_775 : i32 to index
    %get3A_778 = arith.index_cast %mul3A_773 : i32 to index
    %get3A_779 = tpu.vector_load %arg6[%get3A_776, %get3A_777, %get3A_778] {strides = array<i32>} : memref<4x8x128xf32, #tpu.memory_space<vmem>>, vector<16xf32>,
    %jit3A_780 = arith.constant 16 : i32
    %eq3A_781 = arith.constant 0 : i32
    %eq3A_782 = arith.cmpi eq, %jit3A_780, %eq3A_781 : i32
    %jit3A_783 = arith.constant 1 : i32
    %select_n3A_784 = arith.select %eq3A_782, %jit3A_783, %jit3A_780 : i32
    %rem3A_785 = arith.remsi %add3A_360, %select_n3A_784 : i32
    %ne3A_786 = arith.constant 0 : i32
    %ne3A_787 = arith.cmpi ne, %rem3A_785, %ne3A_786 : i32
    %lt3A_788 = arith.constant 0 : i32
    %lt3A_789 = arith.cmpi slt, %rem3A_785, %lt3A_788 : i32
    %lt3A_790 = arith.constant 0 : i32
    %lt3A_791 = arith.cmpi slt, %select_n3A_784, %lt3A_790 : i32
    %ne3A_792 = arith.xori %lt3A_789, %lt3A_791 : i1
    %and3A_793 = arith.andi %ne3A_792, %ne3A_787 : i1
    %add3A_794 = arith.addi %rem3A_785, %select_n3A_784 : i32
    %select_n3A_795 = arith.select %and3A_793, %add3A_794, %rem3A_785 : i32
    %eq3A_796 = vector.broadcast %select_n3A_795 : i32 to vector<16xi32>
    %eq3A_797 = arith.cmpi eq, %iota3A, %eq3A_796 : vector<16xi32>
    %jit3A_798 = arith.constant -3.000000e+38 : f32
    %broadcast_in_dim3A_799 = vector.broadcast %jit3A_798 : f32 to vector<16xf32>
    %select_n3A_800 = arith.select %eq3A_797, %get3A_779, %broadcast_in_dim3A_799 : vector<16xi1>, vector<16xf32>
    %reduce_max3A_801 = arith.constant true
    %reduce_max3A_802 = vector.broadcast %reduce_max3A_801 : i1 to vector<16xi1>
    %reduce_max3A_803 = tpu.scan <max>, %select_n3A_800 masked %reduce_max3A_802 : vector<16xf32>, vector<16xi1> -> vector<16xf32>
    %reduce_max3A_804 = vector.extract %reduce_max3A_803[15] : f32 from vector<16xf32>
    %eq3A_805 = arith.constant 6 : i32
    %eq3A_806 = arith.cmpi eq, %sub3A_387, %eq3A_805 : i32
    %select_n3A_807 = arith.select %eq3A_806, %reduce_max3A_804, %select_n3A_747 : f32
    %jit3A_808 = arith.constant 16 : i32
    %div3A_809 = arith.divsi %add3A_360, %jit3A_808 : i32
    %sign3A_810 = arith.constant 0 : i32
    %sign3A_811 = arith.cmpi sgt, %add3A_360, %sign3A_810 : i32
    %sign3A_812 = arith.extui %sign3A_811 : i1 to i32
    %sign3A_813 = arith.constant 0 : i32
    %sign3A_814 = arith.cmpi slt, %add3A_360, %sign3A_813 : i32
    %sign3A_815 = arith.extui %sign3A_814 : i1 to i32
    %sign3A_816 = arith.subi %sign3A_812, %sign3A_815 : i32
    %sign3A_817 = arith.constant 0 : i32
    %sign3A_818 = arith.cmpi sgt, %jit3A_808, %sign3A_817 : i32
    %sign3A_819 = arith.extui %sign3A_818 : i1 to i32
    %sign3A_820 = arith.constant 0 : i32
    %sign3A_821 = arith.cmpi slt, %jit3A_808, %sign3A_820 : i32
    %sign3A_822 = arith.extui %sign3A_821 : i1 to i32
    %sign3A_823 = arith.subi %sign3A_819, %sign3A_822 : i32
    %ne3A_824 = arith.cmpi ne, %sign3A_816, %sign3A_823 : i32
    %rem3A_825 = arith.remsi %add3A_360, %jit3A_808 : i32
    %ne3A_826 = arith.constant 0 : i32
    %ne3A_827 = arith.cmpi ne, %rem3A_825, %ne3A_826 : i32
    %and3A_828 = arith.andi %ne3A_824, %ne3A_827 : i1
    %sub3A_829 = arith.constant 1 : i32
    %sub3A_830 = arith.subi %div3A_809, %sub3A_829 : i32
    %select_n3A_831 = arith.select %and3A_828, %sub3A_830, %div3A_809 : i32
    %mul3A_832 = arith.constant 16 : i32
    %mul3A_833 = arith.muli %select_n3A_831, %mul3A_832 : i32
    %get3A_834 = arith.constant 0 : i32
    %get3A_835 = arith.constant 7 : i32
    %get3A_836 = arith.index_cast %get3A_834 : i32 to index
    %get3A_837 = arith.index_cast %get3A_835 : i32 to index
    %get3A_838 = arith.index_cast %mul3A_833 : i32 to index
    %get3A_839 = tpu.vector_load %arg6[%get3A_836, %get3A_837, %get3A_838] {strides = array<i32>} : memref<4x8x128xf32, #tpu.memory_space<vmem>>, vector<16xf32>,
    %jit3A_840 = arith.constant 16 : i32
    %eq3A_841 = arith.constant 0 : i32
    %eq3A_842 = arith.cmpi eq, %jit3A_840, %eq3A_841 : i32
    %jit3A_843 = arith.constant 1 : i32
    %select_n3A_844 = arith.select %eq3A_842, %jit3A_843, %jit3A_840 : i32
    %rem3A_845 = arith.remsi %add3A_360, %select_n3A_844 : i32
    %ne3A_846 = arith.constant 0 : i32
    %ne3A_847 = arith.cmpi ne, %rem3A_845, %ne3A_846 : i32
    %lt3A_848 = arith.constant 0 : i32
    %lt3A_849 = arith.cmpi slt, %rem3A_845, %lt3A_848 : i32
    %lt3A_850 = arith.constant 0 : i32
    %lt3A_851 = arith.cmpi slt, %select_n3A_844, %lt3A_850 : i32
    %ne3A_852 = arith.xori %lt3A_849, %lt3A_851 : i1
    %and3A_853 = arith.andi %ne3A_852, %ne3A_847 : i1
    %add3A_854 = arith.addi %rem3A_845, %select_n3A_844 : i32
    %select_n3A_855 = arith.select %and3A_853, %add3A_854, %rem3A_845 : i32
    %eq3A_856 = vector.broadcast %select_n3A_855 : i32 to vector<16xi32>
    %eq3A_857 = arith.cmpi eq, %iota3A, %eq3A_856 : vector<16xi32>
    %jit3A_858 = arith.constant -3.000000e+38 : f32
    %broadcast_in_dim3A_859 = vector.broadcast %jit3A_858 : f32 to vector<16xf32>
    %select_n3A_860 = arith.select %eq3A_857, %get3A_839, %broadcast_in_dim3A_859 : vector<16xi1>, vector<16xf32>
    %reduce_max3A_861 = arith.constant true
    %reduce_max3A_862 = vector.broadcast %reduce_max3A_861 : i1 to vector<16xi1>
    %reduce_max3A_863 = tpu.scan <max>, %select_n3A_860 masked %reduce_max3A_862 : vector<16xf32>, vector<16xi1> -> vector<16xf32>
    %reduce_max3A_864 = vector.extract %reduce_max3A_863[15] : f32 from vector<16xf32>
    %eq3A_865 = arith.constant 7 : i32
    %eq3A_866 = arith.cmpi eq, %sub3A_387, %eq3A_865 : i32
    %select_n3A_867 = arith.select %eq3A_866, %reduce_max3A_864, %select_n3A_807 : f32
    %eq3A_868 = arith.constant 0 : i32
    %eq3A_869 = vector.broadcast %eq3A_868 : i32 to vector<16xi32>
    %eq3A_870 = arith.cmpi eq, %iota3A, %eq3A_869 : vector<16xi32>
    %broadcast_in_dim3A_871 = vector.broadcast %select_n3A_867 : f32 to vector<16xf32>
    %select_n3A_872 = arith.select %eq3A_870, %broadcast_in_dim3A_871, %broadcast_in_dim3A_346 : vector<16xi1>, vector<16xf32>
    %dma_wait3A_873 = arith.constant 1 : i32
    %dma_wait3A_874 = arith.constant 0 : i32
    %dma_wait3A_875 = arith.constant 0 : i32
    %dma_wait3A_876 = tpu.memref_slice %arg6[%dma_wait3A_873, %dma_wait3A_874, %dma_wait3A_875] : memref<4x8x128xf32, #tpu.memory_space<vmem>> -> memref<1x8x128xf32, #tpu.memory_space<vmem>>
    %dma_wait3A_877 = tpu.memref_squeeze %dma_wait3A_876 : memref<1x8x128xf32, #tpu.memory_space<vmem>> -> memref<8x128xf32, #tpu.memory_space<vmem>>
    %dma_wait3A_878 = arith.constant 0 : i32
    %dma_wait3A_879 = tpu.memref_slice %arg2[%multiple_of3A_167, %dma_wait3A_878] : memref<100000x128xf32, #tpu.memory_space<hbm>> -> memref<8x128xf32, #tpu.memory_space<hbm>>
    %dma_wait3A_880 = arith.constant 0 : i32
    %dma_wait3A_881 = arith.constant 0 : i32
    %dma_wait3A_882 = tpu.memref_slice %arg6[%dma_wait3A_873, %dma_wait3A_880, %dma_wait3A_881] : memref<4x8x128xf32, #tpu.memory_space<vmem>> -> memref<1x8x128xf32, #tpu.memory_space<vmem>>
    %dma_wait3A_883 = tpu.memref_squeeze %dma_wait3A_882 : memref<1x8x128xf32, #tpu.memory_space<vmem>> -> memref<8x128xf32, #tpu.memory_space<vmem>>
    %dma_wait3A_884 = arith.constant 0 : i32
    %dma_wait3A_885 = tpu.memref_slice %arg2[%multiple_of3A_167, %dma_wait3A_884] : memref<100000x128xf32, #tpu.memory_space<hbm>> -> memref<8x128xf32, #tpu.memory_space<hbm>>
    tpu.wait_dma2 semaphore(%arg8 : memref<!tpu.dma_semaphore, #tpu.memory_space<semaphore_mem>>) src(%dma_wait3A_885 : memref<8x128xf32, #tpu.memory_space<hbm>>) dst(%dma_wait3A_883 : memref<8x128xf32, #tpu.memory_space<vmem>>)
    %add3A_886 = arith.constant 1 : i32
    %add3A_887 = arith.addi %mul3A_2, %add3A_886 : i32
    %jit3A_888 = arith.constant 8 : i32
    %div3A_889 = arith.divsi %reduce_max3A_140, %jit3A_888 : i32
    %sign3A_890 = arith.constant 0 : i32
    %sign3A_891 = arith.cmpi sgt, %reduce_max3A_140, %sign3A_890 : i32
    %sign3A_892 = arith.extui %sign3A_891 : i1 to i32
    %sign3A_893 = arith.constant 0 : i32
    %sign3A_894 = arith.cmpi slt, %reduce_max3A_140, %sign3A_893 : i32
    %sign3A_895 = arith.extui %sign3A_894 : i1 to i32
    %sign3A_896 = arith.subi %sign3A_892, %sign3A_895 : i32
    %sign3A_897 = arith.constant 0 : i32
    %sign3A_898 = arith.cmpi sgt, %jit3A_888, %sign3A_897 : i32
    %sign3A_899 = arith.extui %sign3A_898 : i1 to i32
    %sign3A_900 = arith.constant 0 : i32
    %sign3A_901 = arith.cmpi slt, %jit3A_888, %sign3A_900 : i32
    %sign3A_902 = arith.extui %sign3A_901 : i1 to i32
    %sign3A_903 = arith.subi %sign3A_899, %sign3A_902 : i32
    %ne3A_904 = arith.cmpi ne, %sign3A_896, %sign3A_903 : i32
    %rem3A_905 = arith.remsi %reduce_max3A_140, %jit3A_888 : i32
    %ne3A_906 = arith.constant 0 : i32
    %ne3A_907 = arith.cmpi ne, %rem3A_905, %ne3A_906 : i32
    %and3A_908 = arith.andi %ne3A_904, %ne3A_907 : i1
    %sub3A_909 = arith.constant 1 : i32
    %sub3A_910 = arith.subi %div3A_889, %sub3A_909 : i32
    %select_n3A_911 = arith.select %and3A_908, %sub3A_910, %div3A_889 : i32
    %mul3A_912 = arith.constant 8 : i32
    %mul3A_913 = arith.muli %select_n3A_911, %mul3A_912 : i32
    %sub3A_914 = arith.subi %reduce_max3A_140, %mul3A_913 : i32
    %jit3A_915 = arith.constant 16 : i32
    %div3A_916 = arith.divsi %add3A_887, %jit3A_915 : i32
    %sign3A_917 = arith.constant 0 : i32
    %sign3A_918 = arith.cmpi sgt, %add3A_887, %sign3A_917 : i32
    %sign3A_919 = arith.extui %sign3A_918 : i1 to i32
    %sign3A_920 = arith.constant 0 : i32
    %sign3A_921 = arith.cmpi slt, %add3A_887, %sign3A_920 : i32
    %sign3A_922 = arith.extui %sign3A_921 : i1 to i32
    %sign3A_923 = arith.subi %sign3A_919, %sign3A_922 : i32
    %sign3A_924 = arith.constant 0 : i32
    %sign3A_925 = arith.cmpi sgt, %jit3A_915, %sign3A_924 : i32
    %sign3A_926 = arith.extui %sign3A_925 : i1 to i32
    %sign3A_927 = arith.constant 0 : i32
    %sign3A_928 = arith.cmpi slt, %jit3A_915, %sign3A_927 : i32
    %sign3A_929 = arith.extui %sign3A_928 : i1 to i32
    %sign3A_930 = arith.subi %sign3A_926, %sign3A_929 : i32
    %ne3A_931 = arith.cmpi ne, %sign3A_923, %sign3A_930 : i32
    %rem3A_932 = arith.remsi %add3A_887, %jit3A_915 : i32
    %ne3A_933 = arith.constant 0 : i32
    %ne3A_934 = arith.cmpi ne, %rem3A_932, %ne3A_933 : i32
    %and3A_935 = arith.andi %ne3A_931, %ne3A_934 : i1
    %sub3A_936 = arith.constant 1 : i32
    %sub3A_937 = arith.subi %div3A_916, %sub3A_936 : i32
    %select_n3A_938 = arith.select %and3A_935, %sub3A_937, %div3A_916 : i32
    %mul3A_939 = arith.constant 16 : i32
    %mul3A_940 = arith.muli %select_n3A_938, %mul3A_939 : i32
    %get3A_941 = arith.constant 1 : i32
    %get3A_942 = arith.constant 0 : i32
    %get3A_943 = arith.index_cast %get3A_941 : i32 to index
    %get3A_944 = arith.index_cast %get3A_942 : i32 to index
    %get3A_945 = arith.index_cast %mul3A_940 : i32 to index
    %get3A_946 = tpu.vector_load %arg6[%get3A_943, %get3A_944, %get3A_945] {strides = array<i32>} : memref<4x8x128xf32, #tpu.memory_space<vmem>>, vector<16xf32>,
    %jit3A_947 = arith.constant 16 : i32
    %eq3A_948 = arith.constant 0 : i32
    %eq3A_949 = arith.cmpi eq, %jit3A_947, %eq3A_948 : i32
    %jit3A_950 = arith.constant 1 : i32
    %select_n3A_951 = arith.select %eq3A_949, %jit3A_950, %jit3A_947 : i32
    %rem3A_952 = arith.remsi %add3A_887, %select_n3A_951 : i32
    %ne3A_953 = arith.constant 0 : i32
    %ne3A_954 = arith.cmpi ne, %rem3A_952, %ne3A_953 : i32
    %lt3A_955 = arith.constant 0 : i32
    %lt3A_956 = arith.cmpi slt, %rem3A_952, %lt3A_955 : i32
    %lt3A_957 = arith.constant 0 : i32
    %lt3A_958 = arith.cmpi slt, %select_n3A_951, %lt3A_957 : i32
    %ne3A_959 = arith.xori %lt3A_956, %lt3A_958 : i1
    %and3A_960 = arith.andi %ne3A_959, %ne3A_954 : i1
    %add3A_961 = arith.addi %rem3A_952, %select_n3A_951 : i32
    %select_n3A_962 = arith.select %and3A_960, %add3A_961, %rem3A_952 : i32
    %eq3A_963 = vector.broadcast %select_n3A_962 : i32 to vector<16xi32>
    %eq3A_964 = arith.cmpi eq, %iota3A, %eq3A_963 : vector<16xi32>
    %jit3A_965 = arith.constant -3.000000e+38 : f32
    %broadcast_in_dim3A_966 = vector.broadcast %jit3A_965 : f32 to vector<16xf32>
    %select_n3A_967 = arith.select %eq3A_964, %get3A_946, %broadcast_in_dim3A_966 : vector<16xi1>, vector<16xf32>
    %reduce_max3A_968 = arith.constant true
    %reduce_max3A_969 = vector.broadcast %reduce_max3A_968 : i1 to vector<16xi1>
    %reduce_max3A_970 = tpu.scan <max>, %select_n3A_967 masked %reduce_max3A_969 : vector<16xf32>, vector<16xi1> -> vector<16xf32>
    %reduce_max3A_971 = vector.extract %reduce_max3A_970[15] : f32 from vector<16xf32>
    %eq3A_972 = arith.constant 0 : i32
    %eq3A_973 = arith.cmpi eq, %sub3A_914, %eq3A_972 : i32
    %jit3A_974 = arith.constant -3.000000e+38 : f32
    %select_n3A_975 = arith.select %eq3A_973, %reduce_max3A_971, %jit3A_974 : f32
    %jit3A_976 = arith.constant 16 : i32
    %div3A_977 = arith.divsi %add3A_887, %jit3A_976 : i32
    %sign3A_978 = arith.constant 0 : i32
    %sign3A_979 = arith.cmpi sgt, %add3A_887, %sign3A_978 : i32
    %sign3A_980 = arith.extui %sign3A_979 : i1 to i32
    %sign3A_981 = arith.constant 0 : i32
    %sign3A_982 = arith.cmpi slt, %add3A_887, %sign3A_981 : i32
    %sign3A_983 = arith.extui %sign3A_982 : i1 to i32
    %sign3A_984 = arith.subi %sign3A_980, %sign3A_983 : i32
    %sign3A_985 = arith.constant 0 : i32
    %sign3A_986 = arith.cmpi sgt, %jit3A_976, %sign3A_985 : i32
    %sign3A_987 = arith.extui %sign3A_986 : i1 to i32
    %sign3A_988 = arith.constant 0 : i32
    %sign3A_989 = arith.cmpi slt, %jit3A_976, %sign3A_988 : i32
    %sign3A_990 = arith.extui %sign3A_989 : i1 to i32
    %sign3A_991 = arith.subi %sign3A_987, %sign3A_990 : i32
    %ne3A_992 = arith.cmpi ne, %sign3A_984, %sign3A_991 : i32
    %rem3A_993 = arith.remsi %add3A_887, %jit3A_976 : i32
    %ne3A_994 = arith.constant 0 : i32
    %ne3A_995 = arith.cmpi ne, %rem3A_993, %ne3A_994 : i32
    %and3A_996 = arith.andi %ne3A_992, %ne3A_995 : i1
    %sub3A_997 = arith.constant 1 : i32
    %sub3A_998 = arith.subi %div3A_977, %sub3A_997 : i32
    %select_n3A_999 = arith.select %and3A_996, %sub3A_998, %div3A_977 : i32
    %mul3A_1000 = arith.constant 16 : i32
    %mul3A_1001 = arith.muli %select_n3A_999, %mul3A_1000 : i32
    %get3A_1002 = arith.constant 1 : i32
    %get3A_1003 = arith.constant 1 : i32
    %get3A_1004 = arith.index_cast %get3A_1002 : i32 to index
    %get3A_1005 = arith.index_cast %get3A_1003 : i32 to index
    %get3A_1006 = arith.index_cast %mul3A_1001 : i32 to index
    %get3A_1007 = tpu.vector_load %arg6[%get3A_1004, %get3A_1005, %get3A_1006] {strides = array<i32>} : memref<4x8x128xf32, #tpu.memory_space<vmem>>, vector<16xf32>,
    %jit3A_1008 = arith.constant 16 : i32
    %eq3A_1009 = arith.constant 0 : i32
    %eq3A_1010 = arith.cmpi eq, %jit3A_1008, %eq3A_1009 : i32
    %jit3A_1011 = arith.constant 1 : i32
    %select_n3A_1012 = arith.select %eq3A_1010, %jit3A_1011, %jit3A_1008 : i32
    %rem3A_1013 = arith.remsi %add3A_887, %select_n3A_1012 : i32
    %ne3A_1014 = arith.constant 0 : i32
    %ne3A_1015 = arith.cmpi ne, %rem3A_1013, %ne3A_1014 : i32
    %lt3A_1016 = arith.constant 0 : i32
    %lt3A_1017 = arith.cmpi slt, %rem3A_1013, %lt3A_1016 : i32
    %lt3A_1018 = arith.constant 0 : i32
    %lt3A_1019 = arith.cmpi slt, %select_n3A_1012, %lt3A_1018 : i32
    %ne3A_1020 = arith.xori %lt3A_1017, %lt3A_1019 : i1
    %and3A_1021 = arith.andi %ne3A_1020, %ne3A_1015 : i1
    %add3A_1022 = arith.addi %rem3A_1013, %select_n3A_1012 : i32
    %select_n3A_1023 = arith.select %and3A_1021, %add3A_1022, %rem3A_1013 : i32
    %eq3A_1024 = vector.broadcast %select_n3A_1023 : i32 to vector<16xi32>
    %eq3A_1025 = arith.cmpi eq, %iota3A, %eq3A_1024 : vector<16xi32>
    %jit3A_1026 = arith.constant -3.000000e+38 : f32
    %broadcast_in_dim3A_1027 = vector.broadcast %jit3A_1026 : f32 to vector<16xf32>
    %select_n3A_1028 = arith.select %eq3A_1025, %get3A_1007, %broadcast_in_dim3A_1027 : vector<16xi1>, vector<16xf32>
    %reduce_max3A_1029 = arith.constant true
    %reduce_max3A_1030 = vector.broadcast %reduce_max3A_1029 : i1 to vector<16xi1>
    %reduce_max3A_1031 = tpu.scan <max>, %select_n3A_1028 masked %reduce_max3A_1030 : vector<16xf32>, vector<16xi1> -> vector<16xf32>
    %reduce_max3A_1032 = vector.extract %reduce_max3A_1031[15] : f32 from vector<16xf32>
    %eq3A_1033 = arith.constant 1 : i32
    %eq3A_1034 = arith.cmpi eq, %sub3A_914, %eq3A_1033 : i32
    %select_n3A_1035 = arith.select %eq3A_1034, %reduce_max3A_1032, %select_n3A_975 : f32
    %jit3A_1036 = arith.constant 16 : i32
    %div3A_1037 = arith.divsi %add3A_887, %jit3A_1036 : i32
    %sign3A_1038 = arith.constant 0 : i32
    %sign3A_1039 = arith.cmpi sgt, %add3A_887, %sign3A_1038 : i32
    %sign3A_1040 = arith.extui %sign3A_1039 : i1 to i32
    %sign3A_1041 = arith.constant 0 : i32
    %sign3A_1042 = arith.cmpi slt, %add3A_887, %sign3A_1041 : i32
    %sign3A_1043 = arith.extui %sign3A_1042 : i1 to i32
    %sign3A_1044 = arith.subi %sign3A_1040, %sign3A_1043 : i32
    %sign3A_1045 = arith.constant 0 : i32
    %sign3A_1046 = arith.cmpi sgt, %jit3A_1036, %sign3A_1045 : i32
    %sign3A_1047 = arith.extui %sign3A_1046 : i1 to i32
    %sign3A_1048 = arith.constant 0 : i32
    %sign3A_1049 = arith.cmpi slt, %jit3A_1036, %sign3A_1048 : i32
    %sign3A_1050 = arith.extui %sign3A_1049 : i1 to i32
    %sign3A_1051 = arith.subi %sign3A_1047, %sign3A_1050 : i32
    %ne3A_1052 = arith.cmpi ne, %sign3A_1044, %sign3A_1051 : i32
    %rem3A_1053 = arith.remsi %add3A_887, %jit3A_1036 : i32
    %ne3A_1054 = arith.constant 0 : i32
    %ne3A_1055 = arith.cmpi ne, %rem3A_1053, %ne3A_1054 : i32
    %and3A_1056 = arith.andi %ne3A_1052, %ne3A_1055 : i1
    %sub3A_1057 = arith.constant 1 : i32
    %sub3A_1058 = arith.subi %div3A_1037, %sub3A_1057 : i32
    %select_n3A_1059 = arith.select %and3A_1056, %sub3A_1058, %div3A_1037 : i32
    %mul3A_1060 = arith.constant 16 : i32
    %mul3A_1061 = arith.muli %select_n3A_1059, %mul3A_1060 : i32
    %get3A_1062 = arith.constant 1 : i32
    %get3A_1063 = arith.constant 2 : i32
    %get3A_1064 = arith.index_cast %get3A_1062 : i32 to index
    %get3A_1065 = arith.index_cast %get3A_1063 : i32 to index
    %get3A_1066 = arith.index_cast %mul3A_1061 : i32 to index
    %get3A_1067 = tpu.vector_load %arg6[%get3A_1064, %get3A_1065, %get3A_1066] {strides = array<i32>} : memref<4x8x128xf32, #tpu.memory_space<vmem>>, vector<16xf32>,
    %jit3A_1068 = arith.constant 16 : i32
    %eq3A_1069 = arith.constant 0 : i32
    %eq3A_1070 = arith.cmpi eq, %jit3A_1068, %eq3A_1069 : i32
    %jit3A_1071 = arith.constant 1 : i32
    %select_n3A_1072 = arith.select %eq3A_1070, %jit3A_1071, %jit3A_1068 : i32
    %rem3A_1073 = arith.remsi %add3A_887, %select_n3A_1072 : i32
    %ne3A_1074 = arith.constant 0 : i32
    %ne3A_1075 = arith.cmpi ne, %rem3A_1073, %ne3A_1074 : i32
    %lt3A_1076 = arith.constant 0 : i32
    %lt3A_1077 = arith.cmpi slt, %rem3A_1073, %lt3A_1076 : i32
    %lt3A_1078 = arith.constant 0 : i32
    %lt3A_1079 = arith.cmpi slt, %select_n3A_1072, %lt3A_1078 : i32
    %ne3A_1080 = arith.xori %lt3A_1077, %lt3A_1079 : i1
    %and3A_1081 = arith.andi %ne3A_1080, %ne3A_1075 : i1
    %add3A_1082 = arith.addi %rem3A_1073, %select_n3A_1072 : i32
    %select_n3A_1083 = arith.select %and3A_1081, %add3A_1082, %rem3A_1073 : i32
    %eq3A_1084 = vector.broadcast %select_n3A_1083 : i32 to vector<16xi32>
    %eq3A_1085 = arith.cmpi eq, %iota3A, %eq3A_1084 : vector<16xi32>
    %jit3A_1086 = arith.constant -3.000000e+38 : f32
    %broadcast_in_dim3A_1087 = vector.broadcast %jit3A_1086 : f32 to vector<16xf32>
    %select_n3A_1088 = arith.select %eq3A_1085, %get3A_1067, %broadcast_in_dim3A_1087 : vector<16xi1>, vector<16xf32>
    %reduce_max3A_1089 = arith.constant true
    %reduce_max3A_1090 = vector.broadcast %reduce_max3A_1089 : i1 to vector<16xi1>
    %reduce_max3A_1091 = tpu.scan <max>, %select_n3A_1088 masked %reduce_max3A_1090 : vector<16xf32>, vector<16xi1> -> vector<16xf32>
    %reduce_max3A_1092 = vector.extract %reduce_max3A_1091[15] : f32 from vector<16xf32>
    %eq3A_1093 = arith.constant 2 : i32
    %eq3A_1094 = arith.cmpi eq, %sub3A_914, %eq3A_1093 : i32
    %select_n3A_1095 = arith.select %eq3A_1094, %reduce_max3A_1092, %select_n3A_1035 : f32
    %jit3A_1096 = arith.constant 16 : i32
    %div3A_1097 = arith.divsi %add3A_887, %jit3A_1096 : i32
    %sign3A_1098 = arith.constant 0 : i32
    %sign3A_1099 = arith.cmpi sgt, %add3A_887, %sign3A_1098 : i32
    %sign3A_1100 = arith.extui %sign3A_1099 : i1 to i32
    %sign3A_1101 = arith.constant 0 : i32
    %sign3A_1102 = arith.cmpi slt, %add3A_887, %sign3A_1101 : i32
    %sign3A_1103 = arith.extui %sign3A_1102 : i1 to i32
    %sign3A_1104 = arith.subi %sign3A_1100, %sign3A_1103 : i32
    %sign3A_1105 = arith.constant 0 : i32
    %sign3A_1106 = arith.cmpi sgt, %jit3A_1096, %sign3A_1105 : i32
    %sign3A_1107 = arith.extui %sign3A_1106 : i1 to i32
    %sign3A_1108 = arith.constant 0 : i32
    %sign3A_1109 = arith.cmpi slt, %jit3A_1096, %sign3A_1108 : i32
    %sign3A_1110 = arith.extui %sign3A_1109 : i1 to i32
    %sign3A_1111 = arith.subi %sign3A_1107, %sign3A_1110 : i32
    %ne3A_1112 = arith.cmpi ne, %sign3A_1104, %sign3A_1111 : i32
    %rem3A_1113 = arith.remsi %add3A_887, %jit3A_1096 : i32
    %ne3A_1114 = arith.constant 0 : i32
    %ne3A_1115 = arith.cmpi ne, %rem3A_1113, %ne3A_1114 : i32
    %and3A_1116 = arith.andi %ne3A_1112, %ne3A_1115 : i1
    %sub3A_1117 = arith.constant 1 : i32
    %sub3A_1118 = arith.subi %div3A_1097, %sub3A_1117 : i32
    %select_n3A_1119 = arith.select %and3A_1116, %sub3A_1118, %div3A_1097 : i32
    %mul3A_1120 = arith.constant 16 : i32
    %mul3A_1121 = arith.muli %select_n3A_1119, %mul3A_1120 : i32
    %get3A_1122 = arith.constant 1 : i32
    %get3A_1123 = arith.constant 3 : i32
    %get3A_1124 = arith.index_cast %get3A_1122 : i32 to index
    %get3A_1125 = arith.index_cast %get3A_1123 : i32 to index
    %get3A_1126 = arith.index_cast %mul3A_1121 : i32 to index
    %get3A_1127 = tpu.vector_load %arg6[%get3A_1124, %get3A_1125, %get3A_1126] {strides = array<i32>} : memref<4x8x128xf32, #tpu.memory_space<vmem>>, vector<16xf32>,
    %jit3A_1128 = arith.constant 16 : i32
    %eq3A_1129 = arith.constant 0 : i32
    %eq3A_1130 = arith.cmpi eq, %jit3A_1128, %eq3A_1129 : i32
    %jit3A_1131 = arith.constant 1 : i32
    %select_n3A_1132 = arith.select %eq3A_1130, %jit3A_1131, %jit3A_1128 : i32
    %rem3A_1133 = arith.remsi %add3A_887, %select_n3A_1132 : i32
    %ne3A_1134 = arith.constant 0 : i32
    %ne3A_1135 = arith.cmpi ne, %rem3A_1133, %ne3A_1134 : i32
    %lt3A_1136 = arith.constant 0 : i32
    %lt3A_1137 = arith.cmpi slt, %rem3A_1133, %lt3A_1136 : i32
    %lt3A_1138 = arith.constant 0 : i32
    %lt3A_1139 = arith.cmpi slt, %select_n3A_1132, %lt3A_1138 : i32
    %ne3A_1140 = arith.xori %lt3A_1137, %lt3A_1139 : i1
    %and3A_1141 = arith.andi %ne3A_1140, %ne3A_1135 : i1
    %add3A_1142 = arith.addi %rem3A_1133, %select_n3A_1132 : i32
    %select_n3A_1143 = arith.select %and3A_1141, %add3A_1142, %rem3A_1133 : i32
    %eq3A_1144 = vector.broadcast %select_n3A_1143 : i32 to vector<16xi32>
    %eq3A_1145 = arith.cmpi eq, %iota3A, %eq3A_1144 : vector<16xi32>
    %jit3A_1146 = arith.constant -3.000000e+38 : f32
    %broadcast_in_dim3A_1147 = vector.broadcast %jit3A_1146 : f32 to vector<16xf32>
    %select_n3A_1148 = arith.select %eq3A_1145, %get3A_1127, %broadcast_in_dim3A_1147 : vector<16xi1>, vector<16xf32>
    %reduce_max3A_1149 = arith.constant true
    %reduce_max3A_1150 = vector.broadcast %reduce_max3A_1149 : i1 to vector<16xi1>
    %reduce_max3A_1151 = tpu.scan <max>, %select_n3A_1148 masked %reduce_max3A_1150 : vector<16xf32>, vector<16xi1> -> vector<16xf32>
    %reduce_max3A_1152 = vector.extract %reduce_max3A_1151[15] : f32 from vector<16xf32>
    %eq3A_1153 = arith.constant 3 : i32
    %eq3A_1154 = arith.cmpi eq, %sub3A_914, %eq3A_1153 : i32
    %select_n3A_1155 = arith.select %eq3A_1154, %reduce_max3A_1152, %select_n3A_1095 : f32
    %jit3A_1156 = arith.constant 16 : i32
    %div3A_1157 = arith.divsi %add3A_887, %jit3A_1156 : i32
    %sign3A_1158 = arith.constant 0 : i32
    %sign3A_1159 = arith.cmpi sgt, %add3A_887, %sign3A_1158 : i32
    %sign3A_1160 = arith.extui %sign3A_1159 : i1 to i32
    %sign3A_1161 = arith.constant 0 : i32
    %sign3A_1162 = arith.cmpi slt, %add3A_887, %sign3A_1161 : i32
    %sign3A_1163 = arith.extui %sign3A_1162 : i1 to i32
    %sign3A_1164 = arith.subi %sign3A_1160, %sign3A_1163 : i32
    %sign3A_1165 = arith.constant 0 : i32
    %sign3A_1166 = arith.cmpi sgt, %jit3A_1156, %sign3A_1165 : i32
    %sign3A_1167 = arith.extui %sign3A_1166 : i1 to i32
    %sign3A_1168 = arith.constant 0 : i32
    %sign3A_1169 = arith.cmpi slt, %jit3A_1156, %sign3A_1168 : i32
    %sign3A_1170 = arith.extui %sign3A_1169 : i1 to i32
    %sign3A_1171 = arith.subi %sign3A_1167, %sign3A_1170 : i32
    %ne3A_1172 = arith.cmpi ne, %sign3A_1164, %sign3A_1171 : i32
    %rem3A_1173 = arith.remsi %add3A_887, %jit3A_1156 : i32
    %ne3A_1174 = arith.constant 0 : i32
    %ne3A_1175 = arith.cmpi ne, %rem3A_1173, %ne3A_1174 : i32
    %and3A_1176 = arith.andi %ne3A_1172, %ne3A_1175 : i1
    %sub3A_1177 = arith.constant 1 : i32
    %sub3A_1178 = arith.subi %div3A_1157, %sub3A_1177 : i32
    %select_n3A_1179 = arith.select %and3A_1176, %sub3A_1178, %div3A_1157 : i32
    %mul3A_1180 = arith.constant 16 : i32
    %mul3A_1181 = arith.muli %select_n3A_1179, %mul3A_1180 : i32
    %get3A_1182 = arith.constant 1 : i32
    %get3A_1183 = arith.constant 4 : i32
    %get3A_1184 = arith.index_cast %get3A_1182 : i32 to index
    %get3A_1185 = arith.index_cast %get3A_1183 : i32 to index
    %get3A_1186 = arith.index_cast %mul3A_1181 : i32 to index
    %get3A_1187 = tpu.vector_load %arg6[%get3A_1184, %get3A_1185, %get3A_1186] {strides = array<i32>} : memref<4x8x128xf32, #tpu.memory_space<vmem>>, vector<16xf32>,
    %jit3A_1188 = arith.constant 16 : i32
    %eq3A_1189 = arith.constant 0 : i32
    %eq3A_1190 = arith.cmpi eq, %jit3A_1188, %eq3A_1189 : i32
    %jit3A_1191 = arith.constant 1 : i32
    %select_n3A_1192 = arith.select %eq3A_1190, %jit3A_1191, %jit3A_1188 : i32
    %rem3A_1193 = arith.remsi %add3A_887, %select_n3A_1192 : i32
    %ne3A_1194 = arith.constant 0 : i32
    %ne3A_1195 = arith.cmpi ne, %rem3A_1193, %ne3A_1194 : i32
    %lt3A_1196 = arith.constant 0 : i32
    %lt3A_1197 = arith.cmpi slt, %rem3A_1193, %lt3A_1196 : i32
    %lt3A_1198 = arith.constant 0 : i32
    %lt3A_1199 = arith.cmpi slt, %select_n3A_1192, %lt3A_1198 : i32
    %ne3A_1200 = arith.xori %lt3A_1197, %lt3A_1199 : i1
    %and3A_1201 = arith.andi %ne3A_1200, %ne3A_1195 : i1
    %add3A_1202 = arith.addi %rem3A_1193, %select_n3A_1192 : i32
    %select_n3A_1203 = arith.select %and3A_1201, %add3A_1202, %rem3A_1193 : i32
    %eq3A_1204 = vector.broadcast %select_n3A_1203 : i32 to vector<16xi32>
    %eq3A_1205 = arith.cmpi eq, %iota3A, %eq3A_1204 : vector<16xi32>
    %jit3A_1206 = arith.constant -3.000000e+38 : f32
    %broadcast_in_dim3A_1207 = vector.broadcast %jit3A_1206 : f32 to vector<16xf32>
    %select_n3A_1208 = arith.select %eq3A_1205, %get3A_1187, %broadcast_in_dim3A_1207 : vector<16xi1>, vector<16xf32>
    %reduce_max3A_1209 = arith.constant true
    %reduce_max3A_1210 = vector.broadcast %reduce_max3A_1209 : i1 to vector<16xi1>
    %reduce_max3A_1211 = tpu.scan <max>, %select_n3A_1208 masked %reduce_max3A_1210 : vector<16xf32>, vector<16xi1> -> vector<16xf32>
    %reduce_max3A_1212 = vector.extract %reduce_max3A_1211[15] : f32 from vector<16xf32>
    %eq3A_1213 = arith.constant 4 : i32
    %eq3A_1214 = arith.cmpi eq, %sub3A_914, %eq3A_1213 : i32
    %select_n3A_1215 = arith.select %eq3A_1214, %reduce_max3A_1212, %select_n3A_1155 : f32
    %jit3A_1216 = arith.constant 16 : i32
    %div3A_1217 = arith.divsi %add3A_887, %jit3A_1216 : i32
    %sign3A_1218 = arith.constant 0 : i32
    %sign3A_1219 = arith.cmpi sgt, %add3A_887, %sign3A_1218 : i32
    %sign3A_1220 = arith.extui %sign3A_1219 : i1 to i32
    %sign3A_1221 = arith.constant 0 : i32
    %sign3A_1222 = arith.cmpi slt, %add3A_887, %sign3A_1221 : i32
    %sign3A_1223 = arith.extui %sign3A_1222 : i1 to i32
    %sign3A_1224 = arith.subi %sign3A_1220, %sign3A_1223 : i32
    %sign3A_1225 = arith.constant 0 : i32
    %sign3A_1226 = arith.cmpi sgt, %jit3A_1216, %sign3A_1225 : i32
    %sign3A_1227 = arith.extui %sign3A_1226 : i1 to i32
    %sign3A_1228 = arith.constant 0 : i32
    %sign3A_1229 = arith.cmpi slt, %jit3A_1216, %sign3A_1228 : i32
    %sign3A_1230 = arith.extui %sign3A_1229 : i1 to i32
    %sign3A_1231 = arith.subi %sign3A_1227, %sign3A_1230 : i32
    %ne3A_1232 = arith.cmpi ne, %sign3A_1224, %sign3A_1231 : i32
    %rem3A_1233 = arith.remsi %add3A_887, %jit3A_1216 : i32
    %ne3A_1234 = arith.constant 0 : i32
    %ne3A_1235 = arith.cmpi ne, %rem3A_1233, %ne3A_1234 : i32
    %and3A_1236 = arith.andi %ne3A_1232, %ne3A_1235 : i1
    %sub3A_1237 = arith.constant 1 : i32
    %sub3A_1238 = arith.subi %div3A_1217, %sub3A_1237 : i32
    %select_n3A_1239 = arith.select %and3A_1236, %sub3A_1238, %div3A_1217 : i32
    %mul3A_1240 = arith.constant 16 : i32
    %mul3A_1241 = arith.muli %select_n3A_1239, %mul3A_1240 : i32
    %get3A_1242 = arith.constant 1 : i32
    %get3A_1243 = arith.constant 5 : i32
    %get3A_1244 = arith.index_cast %get3A_1242 : i32 to index
    %get3A_1245 = arith.index_cast %get3A_1243 : i32 to index
    %get3A_1246 = arith.index_cast %mul3A_1241 : i32 to index
    %get3A_1247 = tpu.vector_load %arg6[%get3A_1244, %get3A_1245, %get3A_1246] {strides = array<i32>} : memref<4x8x128xf32, #tpu.memory_space<vmem>>, vector<16xf32>,
    %jit3A_1248 = arith.constant 16 : i32
    %eq3A_1249 = arith.constant 0 : i32
    %eq3A_1250 = arith.cmpi eq, %jit3A_1248, %eq3A_1249 : i32
    %jit3A_1251 = arith.constant 1 : i32
    %select_n3A_1252 = arith.select %eq3A_1250, %jit3A_1251, %jit3A_1248 : i32
    %rem3A_1253 = arith.remsi %add3A_887, %select_n3A_1252 : i32
    %ne3A_1254 = arith.constant 0 : i32
    %ne3A_1255 = arith.cmpi ne, %rem3A_1253, %ne3A_1254 : i32
    %lt3A_1256 = arith.constant 0 : i32
    %lt3A_1257 = arith.cmpi slt, %rem3A_1253, %lt3A_1256 : i32
    %lt3A_1258 = arith.constant 0 : i32
    %lt3A_1259 = arith.cmpi slt, %select_n3A_1252, %lt3A_1258 : i32
    %ne3A_1260 = arith.xori %lt3A_1257, %lt3A_1259 : i1
    %and3A_1261 = arith.andi %ne3A_1260, %ne3A_1255 : i1
    %add3A_1262 = arith.addi %rem3A_1253, %select_n3A_1252 : i32
    %select_n3A_1263 = arith.select %and3A_1261, %add3A_1262, %rem3A_1253 : i32
    %eq3A_1264 = vector.broadcast %select_n3A_1263 : i32 to vector<16xi32>
    %eq3A_1265 = arith.cmpi eq, %iota3A, %eq3A_1264 : vector<16xi32>
    %jit3A_1266 = arith.constant -3.000000e+38 : f32
    %broadcast_in_dim3A_1267 = vector.broadcast %jit3A_1266 : f32 to vector<16xf32>
    %select_n3A_1268 = arith.select %eq3A_1265, %get3A_1247, %broadcast_in_dim3A_1267 : vector<16xi1>, vector<16xf32>
    %reduce_max3A_1269 = arith.constant true
    %reduce_max3A_1270 = vector.broadcast %reduce_max3A_1269 : i1 to vector<16xi1>
    %reduce_max3A_1271 = tpu.scan <max>, %select_n3A_1268 masked %reduce_max3A_1270 : vector<16xf32>, vector<16xi1> -> vector<16xf32>
    %reduce_max3A_1272 = vector.extract %reduce_max3A_1271[15] : f32 from vector<16xf32>
    %eq3A_1273 = arith.constant 5 : i32
    %eq3A_1274 = arith.cmpi eq, %sub3A_914, %eq3A_1273 : i32
    %select_n3A_1275 = arith.select %eq3A_1274, %reduce_max3A_1272, %select_n3A_1215 : f32
    %jit3A_1276 = arith.constant 16 : i32
    %div3A_1277 = arith.divsi %add3A_887, %jit3A_1276 : i32
    %sign3A_1278 = arith.constant 0 : i32
    %sign3A_1279 = arith.cmpi sgt, %add3A_887, %sign3A_1278 : i32
    %sign3A_1280 = arith.extui %sign3A_1279 : i1 to i32
    %sign3A_1281 = arith.constant 0 : i32
    %sign3A_1282 = arith.cmpi slt, %add3A_887, %sign3A_1281 : i32
    %sign3A_1283 = arith.extui %sign3A_1282 : i1 to i32
    %sign3A_1284 = arith.subi %sign3A_1280, %sign3A_1283 : i32
    %sign3A_1285 = arith.constant 0 : i32
    %sign3A_1286 = arith.cmpi sgt, %jit3A_1276, %sign3A_1285 : i32
    %sign3A_1287 = arith.extui %sign3A_1286 : i1 to i32
    %sign3A_1288 = arith.constant 0 : i32
    %sign3A_1289 = arith.cmpi slt, %jit3A_1276, %sign3A_1288 : i32
    %sign3A_1290 = arith.extui %sign3A_1289 : i1 to i32
    %sign3A_1291 = arith.subi %sign3A_1287, %sign3A_1290 : i32
    %ne3A_1292 = arith.cmpi ne, %sign3A_1284, %sign3A_1291 : i32
    %rem3A_1293 = arith.remsi %add3A_887, %jit3A_1276 : i32
    %ne3A_1294 = arith.constant 0 : i32
    %ne3A_1295 = arith.cmpi ne, %rem3A_1293, %ne3A_1294 : i32
    %and3A_1296 = arith.andi %ne3A_1292, %ne3A_1295 : i1
    %sub3A_1297 = arith.constant 1 : i32
    %sub3A_1298 = arith.subi %div3A_1277, %sub3A_1297 : i32
    %select_n3A_1299 = arith.select %and3A_1296, %sub3A_1298, %div3A_1277 : i32
    %mul3A_1300 = arith.constant 16 : i32
    %mul3A_1301 = arith.muli %select_n3A_1299, %mul3A_1300 : i32
    %get3A_1302 = arith.constant 1 : i32
    %get3A_1303 = arith.constant 6 : i32
    %get3A_1304 = arith.index_cast %get3A_1302 : i32 to index
    %get3A_1305 = arith.index_cast %get3A_1303 : i32 to index
    %get3A_1306 = arith.index_cast %mul3A_1301 : i32 to index
    %get3A_1307 = tpu.vector_load %arg6[%get3A_1304, %get3A_1305, %get3A_1306] {strides = array<i32>} : memref<4x8x128xf32, #tpu.memory_space<vmem>>, vector<16xf32>,
    %jit3A_1308 = arith.constant 16 : i32
    %eq3A_1309 = arith.constant 0 : i32
    %eq3A_1310 = arith.cmpi eq, %jit3A_1308, %eq3A_1309 : i32
    %jit3A_1311 = arith.constant 1 : i32
    %select_n3A_1312 = arith.select %eq3A_1310, %jit3A_1311, %jit3A_1308 : i32
    %rem3A_1313 = arith.remsi %add3A_887, %select_n3A_1312 : i32
    %ne3A_1314 = arith.constant 0 : i32
    %ne3A_1315 = arith.cmpi ne, %rem3A_1313, %ne3A_1314 : i32
    %lt3A_1316 = arith.constant 0 : i32
    %lt3A_1317 = arith.cmpi slt, %rem3A_1313, %lt3A_1316 : i32
    %lt3A_1318 = arith.constant 0 : i32
    %lt3A_1319 = arith.cmpi slt, %select_n3A_1312, %lt3A_1318 : i32
    %ne3A_1320 = arith.xori %lt3A_1317, %lt3A_1319 : i1
    %and3A_1321 = arith.andi %ne3A_1320, %ne3A_1315 : i1
    %add3A_1322 = arith.addi %rem3A_1313, %select_n3A_1312 : i32
    %select_n3A_1323 = arith.select %and3A_1321, %add3A_1322, %rem3A_1313 : i32
    %eq3A_1324 = vector.broadcast %select_n3A_1323 : i32 to vector<16xi32>
    %eq3A_1325 = arith.cmpi eq, %iota3A, %eq3A_1324 : vector<16xi32>
    %jit3A_1326 = arith.constant -3.000000e+38 : f32
    %broadcast_in_dim3A_1327 = vector.broadcast %jit3A_1326 : f32 to vector<16xf32>
    %select_n3A_1328 = arith.select %eq3A_1325, %get3A_1307, %broadcast_in_dim3A_1327 : vector<16xi1>, vector<16xf32>
    %reduce_max3A_1329 = arith.constant true
    %reduce_max3A_1330 = vector.broadcast %reduce_max3A_1329 : i1 to vector<16xi1>
    %reduce_max3A_1331 = tpu.scan <max>, %select_n3A_1328 masked %reduce_max3A_1330 : vector<16xf32>, vector<16xi1> -> vector<16xf32>
    %reduce_max3A_1332 = vector.extract %reduce_max3A_1331[15] : f32 from vector<16xf32>
    %eq3A_1333 = arith.constant 6 : i32
    %eq3A_1334 = arith.cmpi eq, %sub3A_914, %eq3A_1333 : i32
    %select_n3A_1335 = arith.select %eq3A_1334, %reduce_max3A_1332, %select_n3A_1275 : f32
    %jit3A_1336 = arith.constant 16 : i32
    %div3A_1337 = arith.divsi %add3A_887, %jit3A_1336 : i32
    %sign3A_1338 = arith.constant 0 : i32
    %sign3A_1339 = arith.cmpi sgt, %add3A_887, %sign3A_1338 : i32
    %sign3A_1340 = arith.extui %sign3A_1339 : i1 to i32
    %sign3A_1341 = arith.constant 0 : i32
    %sign3A_1342 = arith.cmpi slt, %add3A_887, %sign3A_1341 : i32
    %sign3A_1343 = arith.extui %sign3A_1342 : i1 to i32
    %sign3A_1344 = arith.subi %sign3A_1340, %sign3A_1343 : i32
    %sign3A_1345 = arith.constant 0 : i32
    %sign3A_1346 = arith.cmpi sgt, %jit3A_1336, %sign3A_1345 : i32
    %sign3A_1347 = arith.extui %sign3A_1346 : i1 to i32
    %sign3A_1348 = arith.constant 0 : i32
    %sign3A_1349 = arith.cmpi slt, %jit3A_1336, %sign3A_1348 : i32
    %sign3A_1350 = arith.extui %sign3A_1349 : i1 to i32
    %sign3A_1351 = arith.subi %sign3A_1347, %sign3A_1350 : i32
    %ne3A_1352 = arith.cmpi ne, %sign3A_1344, %sign3A_1351 : i32
    %rem3A_1353 = arith.remsi %add3A_887, %jit3A_1336 : i32
    %ne3A_1354 = arith.constant 0 : i32
    %ne3A_1355 = arith.cmpi ne, %rem3A_1353, %ne3A_1354 : i32
    %and3A_1356 = arith.andi %ne3A_1352, %ne3A_1355 : i1
    %sub3A_1357 = arith.constant 1 : i32
    %sub3A_1358 = arith.subi %div3A_1337, %sub3A_1357 : i32
    %select_n3A_1359 = arith.select %and3A_1356, %sub3A_1358, %div3A_1337 : i32
    %mul3A_1360 = arith.constant 16 : i32
    %mul3A_1361 = arith.muli %select_n3A_1359, %mul3A_1360 : i32
    %get3A_1362 = arith.constant 1 : i32
    %get3A_1363 = arith.constant 7 : i32
    %get3A_1364 = arith.index_cast %get3A_1362 : i32 to index
    %get3A_1365 = arith.index_cast %get3A_1363 : i32 to index
    %get3A_1366 = arith.index_cast %mul3A_1361 : i32 to index
    %get3A_1367 = tpu.vector_load %arg6[%get3A_1364, %get3A_1365, %get3A_1366] {strides = array<i32>} : memref<4x8x128xf32, #tpu.memory_space<vmem>>, vector<16xf32>,
    %jit3A_1368 = arith.constant 16 : i32
    %eq3A_1369 = arith.constant 0 : i32
    %eq3A_1370 = arith.cmpi eq, %jit3A_1368, %eq3A_1369 : i32
    %jit3A_1371 = arith.constant 1 : i32
    %select_n3A_1372 = arith.select %eq3A_1370, %jit3A_1371, %jit3A_1368 : i32
    %rem3A_1373 = arith.remsi %add3A_887, %select_n3A_1372 : i32
    %ne3A_1374 = arith.constant 0 : i32
    %ne3A_1375 = arith.cmpi ne, %rem3A_1373, %ne3A_1374 : i32
    %lt3A_1376 = arith.constant 0 : i32
    %lt3A_1377 = arith.cmpi slt, %rem3A_1373, %lt3A_1376 : i32
    %lt3A_1378 = arith.constant 0 : i32
    %lt3A_1379 = arith.cmpi slt, %select_n3A_1372, %lt3A_1378 : i32
    %ne3A_1380 = arith.xori %lt3A_1377, %lt3A_1379 : i1
    %and3A_1381 = arith.andi %ne3A_1380, %ne3A_1375 : i1
    %add3A_1382 = arith.addi %rem3A_1373, %select_n3A_1372 : i32
    %select_n3A_1383 = arith.select %and3A_1381, %add3A_1382, %rem3A_1373 : i32
    %eq3A_1384 = vector.broadcast %select_n3A_1383 : i32 to vector<16xi32>
    %eq3A_1385 = arith.cmpi eq, %iota3A, %eq3A_1384 : vector<16xi32>
    %jit3A_1386 = arith.constant -3.000000e+38 : f32
    %broadcast_in_dim3A_1387 = vector.broadcast %jit3A_1386 : f32 to vector<16xf32>
    %select_n3A_1388 = arith.select %eq3A_1385, %get3A_1367, %broadcast_in_dim3A_1387 : vector<16xi1>, vector<16xf32>
    %reduce_max3A_1389 = arith.constant true
    %reduce_max3A_1390 = vector.broadcast %reduce_max3A_1389 : i1 to vector<16xi1>
    %reduce_max3A_1391 = tpu.scan <max>, %select_n3A_1388 masked %reduce_max3A_1390 : vector<16xf32>, vector<16xi1> -> vector<16xf32>
    %reduce_max3A_1392 = vector.extract %reduce_max3A_1391[15] : f32 from vector<16xf32>
    %eq3A_1393 = arith.constant 7 : i32
    %eq3A_1394 = arith.cmpi eq, %sub3A_914, %eq3A_1393 : i32
    %select_n3A_1395 = arith.select %eq3A_1394, %reduce_max3A_1392, %select_n3A_1335 : f32
    %eq3A_1396 = arith.constant 1 : i32
    %eq3A_1397 = vector.broadcast %eq3A_1396 : i32 to vector<16xi32>
    %eq3A_1398 = arith.cmpi eq, %iota3A, %eq3A_1397 : vector<16xi32>
    %broadcast_in_dim3A_1399 = vector.broadcast %select_n3A_1395 : f32 to vector<16xf32>
    %select_n3A_1400 = arith.select %eq3A_1398, %broadcast_in_dim3A_1399, %select_n3A_872 : vector<16xi1>, vector<16xf32>
    %dma_wait3A_1401 = arith.constant 2 : i32
    %dma_wait3A_1402 = arith.constant 0 : i32
    %dma_wait3A_1403 = arith.constant 0 : i32
    %dma_wait3A_1404 = tpu.memref_slice %arg6[%dma_wait3A_1401, %dma_wait3A_1402, %dma_wait3A_1403] : memref<4x8x128xf32, #tpu.memory_space<vmem>> -> memref<1x8x128xf32, #tpu.memory_space<vmem>>
    %dma_wait3A_1405 = tpu.memref_squeeze %dma_wait3A_1404 : memref<1x8x128xf32, #tpu.memory_space<vmem>> -> memref<8x128xf32, #tpu.memory_space<vmem>>
    %dma_wait3A_1406 = arith.constant 0 : i32
    %dma_wait3A_1407 = tpu.memref_slice %arg2[%multiple_of3A_249, %dma_wait3A_1406] : memref<100000x128xf32, #tpu.memory_space<hbm>> -> memref<8x128xf32, #tpu.memory_space<hbm>>
    %dma_wait3A_1408 = arith.constant 0 : i32
    %dma_wait3A_1409 = arith.constant 0 : i32
    %dma_wait3A_1410 = tpu.memref_slice %arg6[%dma_wait3A_1401, %dma_wait3A_1408, %dma_wait3A_1409] : memref<4x8x128xf32, #tpu.memory_space<vmem>> -> memref<1x8x128xf32, #tpu.memory_space<vmem>>
    %dma_wait3A_1411 = tpu.memref_squeeze %dma_wait3A_1410 : memref<1x8x128xf32, #tpu.memory_space<vmem>> -> memref<8x128xf32, #tpu.memory_space<vmem>>
    %dma_wait3A_1412 = arith.constant 0 : i32
    %dma_wait3A_1413 = tpu.memref_slice %arg2[%multiple_of3A_249, %dma_wait3A_1412] : memref<100000x128xf32, #tpu.memory_space<hbm>> -> memref<8x128xf32, #tpu.memory_space<hbm>>
    tpu.wait_dma2 semaphore(%arg8 : memref<!tpu.dma_semaphore, #tpu.memory_space<semaphore_mem>>) src(%dma_wait3A_1413 : memref<8x128xf32, #tpu.memory_space<hbm>>) dst(%dma_wait3A_1411 : memref<8x128xf32, #tpu.memory_space<vmem>>)
    %add3A_1414 = arith.constant 2 : i32
    %add3A_1415 = arith.addi %mul3A_2, %add3A_1414 : i32
    %jit3A_1416 = arith.constant 8 : i32
    %div3A_1417 = arith.divsi %reduce_max3A_222, %jit3A_1416 : i32
    %sign3A_1418 = arith.constant 0 : i32
    %sign3A_1419 = arith.cmpi sgt, %reduce_max3A_222, %sign3A_1418 : i32
    %sign3A_1420 = arith.extui %sign3A_1419 : i1 to i32
    %sign3A_1421 = arith.constant 0 : i32
    %sign3A_1422 = arith.cmpi slt, %reduce_max3A_222, %sign3A_1421 : i32
    %sign3A_1423 = arith.extui %sign3A_1422 : i1 to i32
    %sign3A_1424 = arith.subi %sign3A_1420, %sign3A_1423 : i32
    %sign3A_1425 = arith.constant 0 : i32
    %sign3A_1426 = arith.cmpi sgt, %jit3A_1416, %sign3A_1425 : i32
    %sign3A_1427 = arith.extui %sign3A_1426 : i1 to i32
    %sign3A_1428 = arith.constant 0 : i32
    %sign3A_1429 = arith.cmpi slt, %jit3A_1416, %sign3A_1428 : i32
    %sign3A_1430 = arith.extui %sign3A_1429 : i1 to i32
    %sign3A_1431 = arith.subi %sign3A_1427, %sign3A_1430 : i32
    %ne3A_1432 = arith.cmpi ne, %sign3A_1424, %sign3A_1431 : i32
    %rem3A_1433 = arith.remsi %reduce_max3A_222, %jit3A_1416 : i32
    %ne3A_1434 = arith.constant 0 : i32
    %ne3A_1435 = arith.cmpi ne, %rem3A_1433, %ne3A_1434 : i32
    %and3A_1436 = arith.andi %ne3A_1432, %ne3A_1435 : i1
    %sub3A_1437 = arith.constant 1 : i32
    %sub3A_1438 = arith.subi %div3A_1417, %sub3A_1437 : i32
    %select_n3A_1439 = arith.select %and3A_1436, %sub3A_1438, %div3A_1417 : i32
    %mul3A_1440 = arith.constant 8 : i32
    %mul3A_1441 = arith.muli %select_n3A_1439, %mul3A_1440 : i32
    %sub3A_1442 = arith.subi %reduce_max3A_222, %mul3A_1441 : i32
    %jit3A_1443 = arith.constant 16 : i32
    %div3A_1444 = arith.divsi %add3A_1415, %jit3A_1443 : i32
    %sign3A_1445 = arith.constant 0 : i32
    %sign3A_1446 = arith.cmpi sgt, %add3A_1415, %sign3A_1445 : i32
    %sign3A_1447 = arith.extui %sign3A_1446 : i1 to i32
    %sign3A_1448 = arith.constant 0 : i32
    %sign3A_1449 = arith.cmpi slt, %add3A_1415, %sign3A_1448 : i32
    %sign3A_1450 = arith.extui %sign3A_1449 : i1 to i32
    %sign3A_1451 = arith.subi %sign3A_1447, %sign3A_1450 : i32
    %sign3A_1452 = arith.constant 0 : i32
    %sign3A_1453 = arith.cmpi sgt, %jit3A_1443, %sign3A_1452 : i32
    %sign3A_1454 = arith.extui %sign3A_1453 : i1 to i32
    %sign3A_1455 = arith.constant 0 : i32
    %sign3A_1456 = arith.cmpi slt, %jit3A_1443, %sign3A_1455 : i32
    %sign3A_1457 = arith.extui %sign3A_1456 : i1 to i32
    %sign3A_1458 = arith.subi %sign3A_1454, %sign3A_1457 : i32
    %ne3A_1459 = arith.cmpi ne, %sign3A_1451, %sign3A_1458 : i32
    %rem3A_1460 = arith.remsi %add3A_1415, %jit3A_1443 : i32
    %ne3A_1461 = arith.constant 0 : i32
    %ne3A_1462 = arith.cmpi ne, %rem3A_1460, %ne3A_1461 : i32
    %and3A_1463 = arith.andi %ne3A_1459, %ne3A_1462 : i1
    %sub3A_1464 = arith.constant 1 : i32
    %sub3A_1465 = arith.subi %div3A_1444, %sub3A_1464 : i32
    %select_n3A_1466 = arith.select %and3A_1463, %sub3A_1465, %div3A_1444 : i32
    %mul3A_1467 = arith.constant 16 : i32
    %mul3A_1468 = arith.muli %select_n3A_1466, %mul3A_1467 : i32
    %get3A_1469 = arith.constant 2 : i32
    %get3A_1470 = arith.constant 0 : i32
    %get3A_1471 = arith.index_cast %get3A_1469 : i32 to index
    %get3A_1472 = arith.index_cast %get3A_1470 : i32 to index
    %get3A_1473 = arith.index_cast %mul3A_1468 : i32 to index
    %get3A_1474 = tpu.vector_load %arg6[%get3A_1471, %get3A_1472, %get3A_1473] {strides = array<i32>} : memref<4x8x128xf32, #tpu.memory_space<vmem>>, vector<16xf32>,
    %jit3A_1475 = arith.constant 16 : i32
    %eq3A_1476 = arith.constant 0 : i32
    %eq3A_1477 = arith.cmpi eq, %jit3A_1475, %eq3A_1476 : i32
    %jit3A_1478 = arith.constant 1 : i32
    %select_n3A_1479 = arith.select %eq3A_1477, %jit3A_1478, %jit3A_1475 : i32
    %rem3A_1480 = arith.remsi %add3A_1415, %select_n3A_1479 : i32
    %ne3A_1481 = arith.constant 0 : i32
    %ne3A_1482 = arith.cmpi ne, %rem3A_1480, %ne3A_1481 : i32
    %lt3A_1483 = arith.constant 0 : i32
    %lt3A_1484 = arith.cmpi slt, %rem3A_1480, %lt3A_1483 : i32
    %lt3A_1485 = arith.constant 0 : i32
    %lt3A_1486 = arith.cmpi slt, %select_n3A_1479, %lt3A_1485 : i32
    %ne3A_1487 = arith.xori %lt3A_1484, %lt3A_1486 : i1
    %and3A_1488 = arith.andi %ne3A_1487, %ne3A_1482 : i1
    %add3A_1489 = arith.addi %rem3A_1480, %select_n3A_1479 : i32
    %select_n3A_1490 = arith.select %and3A_1488, %add3A_1489, %rem3A_1480 : i32
    %eq3A_1491 = vector.broadcast %select_n3A_1490 : i32 to vector<16xi32>
    %eq3A_1492 = arith.cmpi eq, %iota3A, %eq3A_1491 : vector<16xi32>
    %jit3A_1493 = arith.constant -3.000000e+38 : f32
    %broadcast_in_dim3A_1494 = vector.broadcast %jit3A_1493 : f32 to vector<16xf32>
    %select_n3A_1495 = arith.select %eq3A_1492, %get3A_1474, %broadcast_in_dim3A_1494 : vector<16xi1>, vector<16xf32>
    %reduce_max3A_1496 = arith.constant true
    %reduce_max3A_1497 = vector.broadcast %reduce_max3A_1496 : i1 to vector<16xi1>
    %reduce_max3A_1498 = tpu.scan <max>, %select_n3A_1495 masked %reduce_max3A_1497 : vector<16xf32>, vector<16xi1> -> vector<16xf32>
    %reduce_max3A_1499 = vector.extract %reduce_max3A_1498[15] : f32 from vector<16xf32>
    %eq3A_1500 = arith.constant 0 : i32
    %eq3A_1501 = arith.cmpi eq, %sub3A_1442, %eq3A_1500 : i32
    %jit3A_1502 = arith.constant -3.000000e+38 : f32
    %select_n3A_1503 = arith.select %eq3A_1501, %reduce_max3A_1499, %jit3A_1502 : f32
    %jit3A_1504 = arith.constant 16 : i32
    %div3A_1505 = arith.divsi %add3A_1415, %jit3A_1504 : i32
    %sign3A_1506 = arith.constant 0 : i32
    %sign3A_1507 = arith.cmpi sgt, %add3A_1415, %sign3A_1506 : i32
    %sign3A_1508 = arith.extui %sign3A_1507 : i1 to i32
    %sign3A_1509 = arith.constant 0 : i32
    %sign3A_1510 = arith.cmpi slt, %add3A_1415, %sign3A_1509 : i32
    %sign3A_1511 = arith.extui %sign3A_1510 : i1 to i32
    %sign3A_1512 = arith.subi %sign3A_1508, %sign3A_1511 : i32
    %sign3A_1513 = arith.constant 0 : i32
    %sign3A_1514 = arith.cmpi sgt, %jit3A_1504, %sign3A_1513 : i32
    %sign3A_1515 = arith.extui %sign3A_1514 : i1 to i32
    %sign3A_1516 = arith.constant 0 : i32
    %sign3A_1517 = arith.cmpi slt, %jit3A_1504, %sign3A_1516 : i32
    %sign3A_1518 = arith.extui %sign3A_1517 : i1 to i32
    %sign3A_1519 = arith.subi %sign3A_1515, %sign3A_1518 : i32
    %ne3A_1520 = arith.cmpi ne, %sign3A_1512, %sign3A_1519 : i32
    %rem3A_1521 = arith.remsi %add3A_1415, %jit3A_1504 : i32
    %ne3A_1522 = arith.constant 0 : i32
    %ne3A_1523 = arith.cmpi ne, %rem3A_1521, %ne3A_1522 : i32
    %and3A_1524 = arith.andi %ne3A_1520, %ne3A_1523 : i1
    %sub3A_1525 = arith.constant 1 : i32
    %sub3A_1526 = arith.subi %div3A_1505, %sub3A_1525 : i32
    %select_n3A_1527 = arith.select %and3A_1524, %sub3A_1526, %div3A_1505 : i32
    %mul3A_1528 = arith.constant 16 : i32
    %mul3A_1529 = arith.muli %select_n3A_1527, %mul3A_1528 : i32
    %get3A_1530 = arith.constant 2 : i32
    %get3A_1531 = arith.constant 1 : i32
    %get3A_1532 = arith.index_cast %get3A_1530 : i32 to index
    %get3A_1533 = arith.index_cast %get3A_1531 : i32 to index
    %get3A_1534 = arith.index_cast %mul3A_1529 : i32 to index
    %get3A_1535 = tpu.vector_load %arg6[%get3A_1532, %get3A_1533, %get3A_1534] {strides = array<i32>} : memref<4x8x128xf32, #tpu.memory_space<vmem>>, vector<16xf32>,
    %jit3A_1536 = arith.constant 16 : i32
    %eq3A_1537 = arith.constant 0 : i32
    %eq3A_1538 = arith.cmpi eq, %jit3A_1536, %eq3A_1537 : i32
    %jit3A_1539 = arith.constant 1 : i32
    %select_n3A_1540 = arith.select %eq3A_1538, %jit3A_1539, %jit3A_1536 : i32
    %rem3A_1541 = arith.remsi %add3A_1415, %select_n3A_1540 : i32
    %ne3A_1542 = arith.constant 0 : i32
    %ne3A_1543 = arith.cmpi ne, %rem3A_1541, %ne3A_1542 : i32
    %lt3A_1544 = arith.constant 0 : i32
    %lt3A_1545 = arith.cmpi slt, %rem3A_1541, %lt3A_1544 : i32
    %lt3A_1546 = arith.constant 0 : i32
    %lt3A_1547 = arith.cmpi slt, %select_n3A_1540, %lt3A_1546 : i32
    %ne3A_1548 = arith.xori %lt3A_1545, %lt3A_1547 : i1
    %and3A_1549 = arith.andi %ne3A_1548, %ne3A_1543 : i1
    %add3A_1550 = arith.addi %rem3A_1541, %select_n3A_1540 : i32
    %select_n3A_1551 = arith.select %and3A_1549, %add3A_1550, %rem3A_1541 : i32
    %eq3A_1552 = vector.broadcast %select_n3A_1551 : i32 to vector<16xi32>
    %eq3A_1553 = arith.cmpi eq, %iota3A, %eq3A_1552 : vector<16xi32>
    %jit3A_1554 = arith.constant -3.000000e+38 : f32
    %broadcast_in_dim3A_1555 = vector.broadcast %jit3A_1554 : f32 to vector<16xf32>
    %select_n3A_1556 = arith.select %eq3A_1553, %get3A_1535, %broadcast_in_dim3A_1555 : vector<16xi1>, vector<16xf32>
    %reduce_max3A_1557 = arith.constant true
    %reduce_max3A_1558 = vector.broadcast %reduce_max3A_1557 : i1 to vector<16xi1>
    %reduce_max3A_1559 = tpu.scan <max>, %select_n3A_1556 masked %reduce_max3A_1558 : vector<16xf32>, vector<16xi1> -> vector<16xf32>
    %reduce_max3A_1560 = vector.extract %reduce_max3A_1559[15] : f32 from vector<16xf32>
    %eq3A_1561 = arith.constant 1 : i32
    %eq3A_1562 = arith.cmpi eq, %sub3A_1442, %eq3A_1561 : i32
    %select_n3A_1563 = arith.select %eq3A_1562, %reduce_max3A_1560, %select_n3A_1503 : f32
    %jit3A_1564 = arith.constant 16 : i32
    %div3A_1565 = arith.divsi %add3A_1415, %jit3A_1564 : i32
    %sign3A_1566 = arith.constant 0 : i32
    %sign3A_1567 = arith.cmpi sgt, %add3A_1415, %sign3A_1566 : i32
    %sign3A_1568 = arith.extui %sign3A_1567 : i1 to i32
    %sign3A_1569 = arith.constant 0 : i32
    %sign3A_1570 = arith.cmpi slt, %add3A_1415, %sign3A_1569 : i32
    %sign3A_1571 = arith.extui %sign3A_1570 : i1 to i32
    %sign3A_1572 = arith.subi %sign3A_1568, %sign3A_1571 : i32
    %sign3A_1573 = arith.constant 0 : i32
    %sign3A_1574 = arith.cmpi sgt, %jit3A_1564, %sign3A_1573 : i32
    %sign3A_1575 = arith.extui %sign3A_1574 : i1 to i32
    %sign3A_1576 = arith.constant 0 : i32
    %sign3A_1577 = arith.cmpi slt, %jit3A_1564, %sign3A_1576 : i32
    %sign3A_1578 = arith.extui %sign3A_1577 : i1 to i32
    %sign3A_1579 = arith.subi %sign3A_1575, %sign3A_1578 : i32
    %ne3A_1580 = arith.cmpi ne, %sign3A_1572, %sign3A_1579 : i32
    %rem3A_1581 = arith.remsi %add3A_1415, %jit3A_1564 : i32
    %ne3A_1582 = arith.constant 0 : i32
    %ne3A_1583 = arith.cmpi ne, %rem3A_1581, %ne3A_1582 : i32
    %and3A_1584 = arith.andi %ne3A_1580, %ne3A_1583 : i1
    %sub3A_1585 = arith.constant 1 : i32
    %sub3A_1586 = arith.subi %div3A_1565, %sub3A_1585 : i32
    %select_n3A_1587 = arith.select %and3A_1584, %sub3A_1586, %div3A_1565 : i32
    %mul3A_1588 = arith.constant 16 : i32
    %mul3A_1589 = arith.muli %select_n3A_1587, %mul3A_1588 : i32
    %get3A_1590 = arith.constant 2 : i32
    %get3A_1591 = arith.constant 2 : i32
    %get3A_1592 = arith.index_cast %get3A_1590 : i32 to index
    %get3A_1593 = arith.index_cast %get3A_1591 : i32 to index
    %get3A_1594 = arith.index_cast %mul3A_1589 : i32 to index
    %get3A_1595 = tpu.vector_load %arg6[%get3A_1592, %get3A_1593, %get3A_1594] {strides = array<i32>} : memref<4x8x128xf32, #tpu.memory_space<vmem>>, vector<16xf32>,
    %jit3A_1596 = arith.constant 16 : i32
    %eq3A_1597 = arith.constant 0 : i32
    %eq3A_1598 = arith.cmpi eq, %jit3A_1596, %eq3A_1597 : i32
    %jit3A_1599 = arith.constant 1 : i32
    %select_n3A_1600 = arith.select %eq3A_1598, %jit3A_1599, %jit3A_1596 : i32
    %rem3A_1601 = arith.remsi %add3A_1415, %select_n3A_1600 : i32
    %ne3A_1602 = arith.constant 0 : i32
    %ne3A_1603 = arith.cmpi ne, %rem3A_1601, %ne3A_1602 : i32
    %lt3A_1604 = arith.constant 0 : i32
    %lt3A_1605 = arith.cmpi slt, %rem3A_1601, %lt3A_1604 : i32
    %lt3A_1606 = arith.constant 0 : i32
    %lt3A_1607 = arith.cmpi slt, %select_n3A_1600, %lt3A_1606 : i32
    %ne3A_1608 = arith.xori %lt3A_1605, %lt3A_1607 : i1
    %and3A_1609 = arith.andi %ne3A_1608, %ne3A_1603 : i1
    %add3A_1610 = arith.addi %rem3A_1601, %select_n3A_1600 : i32
    %select_n3A_1611 = arith.select %and3A_1609, %add3A_1610, %rem3A_1601 : i32
    %eq3A_1612 = vector.broadcast %select_n3A_1611 : i32 to vector<16xi32>
    %eq3A_1613 = arith.cmpi eq, %iota3A, %eq3A_1612 : vector<16xi32>
    %jit3A_1614 = arith.constant -3.000000e+38 : f32
    %broadcast_in_dim3A_1615 = vector.broadcast %jit3A_1614 : f32 to vector<16xf32>
    %select_n3A_1616 = arith.select %eq3A_1613, %get3A_1595, %broadcast_in_dim3A_1615 : vector<16xi1>, vector<16xf32>
    %reduce_max3A_1617 = arith.constant true
    %reduce_max3A_1618 = vector.broadcast %reduce_max3A_1617 : i1 to vector<16xi1>
    %reduce_max3A_1619 = tpu.scan <max>, %select_n3A_1616 masked %reduce_max3A_1618 : vector<16xf32>, vector<16xi1> -> vector<16xf32>
    %reduce_max3A_1620 = vector.extract %reduce_max3A_1619[15] : f32 from vector<16xf32>
    %eq3A_1621 = arith.constant 2 : i32
    %eq3A_1622 = arith.cmpi eq, %sub3A_1442, %eq3A_1621 : i32
    %select_n3A_1623 = arith.select %eq3A_1622, %reduce_max3A_1620, %select_n3A_1563 : f32
    %jit3A_1624 = arith.constant 16 : i32
    %div3A_1625 = arith.divsi %add3A_1415, %jit3A_1624 : i32
    %sign3A_1626 = arith.constant 0 : i32
    %sign3A_1627 = arith.cmpi sgt, %add3A_1415, %sign3A_1626 : i32
    %sign3A_1628 = arith.extui %sign3A_1627 : i1 to i32
    %sign3A_1629 = arith.constant 0 : i32
    %sign3A_1630 = arith.cmpi slt, %add3A_1415, %sign3A_1629 : i32
    %sign3A_1631 = arith.extui %sign3A_1630 : i1 to i32
    %sign3A_1632 = arith.subi %sign3A_1628, %sign3A_1631 : i32
    %sign3A_1633 = arith.constant 0 : i32
    %sign3A_1634 = arith.cmpi sgt, %jit3A_1624, %sign3A_1633 : i32
    %sign3A_1635 = arith.extui %sign3A_1634 : i1 to i32
    %sign3A_1636 = arith.constant 0 : i32
    %sign3A_1637 = arith.cmpi slt, %jit3A_1624, %sign3A_1636 : i32
    %sign3A_1638 = arith.extui %sign3A_1637 : i1 to i32
    %sign3A_1639 = arith.subi %sign3A_1635, %sign3A_1638 : i32
    %ne3A_1640 = arith.cmpi ne, %sign3A_1632, %sign3A_1639 : i32
    %rem3A_1641 = arith.remsi %add3A_1415, %jit3A_1624 : i32
    %ne3A_1642 = arith.constant 0 : i32
    %ne3A_1643 = arith.cmpi ne, %rem3A_1641, %ne3A_1642 : i32
    %and3A_1644 = arith.andi %ne3A_1640, %ne3A_1643 : i1
    %sub3A_1645 = arith.constant 1 : i32
    %sub3A_1646 = arith.subi %div3A_1625, %sub3A_1645 : i32
    %select_n3A_1647 = arith.select %and3A_1644, %sub3A_1646, %div3A_1625 : i32
    %mul3A_1648 = arith.constant 16 : i32
    %mul3A_1649 = arith.muli %select_n3A_1647, %mul3A_1648 : i32
    %get3A_1650 = arith.constant 2 : i32
    %get3A_1651 = arith.constant 3 : i32
    %get3A_1652 = arith.index_cast %get3A_1650 : i32 to index
    %get3A_1653 = arith.index_cast %get3A_1651 : i32 to index
    %get3A_1654 = arith.index_cast %mul3A_1649 : i32 to index
    %get3A_1655 = tpu.vector_load %arg6[%get3A_1652, %get3A_1653, %get3A_1654] {strides = array<i32>} : memref<4x8x128xf32, #tpu.memory_space<vmem>>, vector<16xf32>,
    %jit3A_1656 = arith.constant 16 : i32
    %eq3A_1657 = arith.constant 0 : i32
    %eq3A_1658 = arith.cmpi eq, %jit3A_1656, %eq3A_1657 : i32
    %jit3A_1659 = arith.constant 1 : i32
    %select_n3A_1660 = arith.select %eq3A_1658, %jit3A_1659, %jit3A_1656 : i32
    %rem3A_1661 = arith.remsi %add3A_1415, %select_n3A_1660 : i32
    %ne3A_1662 = arith.constant 0 : i32
    %ne3A_1663 = arith.cmpi ne, %rem3A_1661, %ne3A_1662 : i32
    %lt3A_1664 = arith.constant 0 : i32
    %lt3A_1665 = arith.cmpi slt, %rem3A_1661, %lt3A_1664 : i32
    %lt3A_1666 = arith.constant 0 : i32
    %lt3A_1667 = arith.cmpi slt, %select_n3A_1660, %lt3A_1666 : i32
    %ne3A_1668 = arith.xori %lt3A_1665, %lt3A_1667 : i1
    %and3A_1669 = arith.andi %ne3A_1668, %ne3A_1663 : i1
    %add3A_1670 = arith.addi %rem3A_1661, %select_n3A_1660 : i32
    %select_n3A_1671 = arith.select %and3A_1669, %add3A_1670, %rem3A_1661 : i32
    %eq3A_1672 = vector.broadcast %select_n3A_1671 : i32 to vector<16xi32>
    %eq3A_1673 = arith.cmpi eq, %iota3A, %eq3A_1672 : vector<16xi32>
    %jit3A_1674 = arith.constant -3.000000e+38 : f32
    %broadcast_in_dim3A_1675 = vector.broadcast %jit3A_1674 : f32 to vector<16xf32>
    %select_n3A_1676 = arith.select %eq3A_1673, %get3A_1655, %broadcast_in_dim3A_1675 : vector<16xi1>, vector<16xf32>
    %reduce_max3A_1677 = arith.constant true
    %reduce_max3A_1678 = vector.broadcast %reduce_max3A_1677 : i1 to vector<16xi1>
    %reduce_max3A_1679 = tpu.scan <max>, %select_n3A_1676 masked %reduce_max3A_1678 : vector<16xf32>, vector<16xi1> -> vector<16xf32>
    %reduce_max3A_1680 = vector.extract %reduce_max3A_1679[15] : f32 from vector<16xf32>
    %eq3A_1681 = arith.constant 3 : i32
    %eq3A_1682 = arith.cmpi eq, %sub3A_1442, %eq3A_1681 : i32
    %select_n3A_1683 = arith.select %eq3A_1682, %reduce_max3A_1680, %select_n3A_1623 : f32
    %jit3A_1684 = arith.constant 16 : i32
    %div3A_1685 = arith.divsi %add3A_1415, %jit3A_1684 : i32
    %sign3A_1686 = arith.constant 0 : i32
    %sign3A_1687 = arith.cmpi sgt, %add3A_1415, %sign3A_1686 : i32
    %sign3A_1688 = arith.extui %sign3A_1687 : i1 to i32
    %sign3A_1689 = arith.constant 0 : i32
    %sign3A_1690 = arith.cmpi slt, %add3A_1415, %sign3A_1689 : i32
    %sign3A_1691 = arith.extui %sign3A_1690 : i1 to i32
    %sign3A_1692 = arith.subi %sign3A_1688, %sign3A_1691 : i32
    %sign3A_1693 = arith.constant 0 : i32
    %sign3A_1694 = arith.cmpi sgt, %jit3A_1684, %sign3A_1693 : i32
    %sign3A_1695 = arith.extui %sign3A_1694 : i1 to i32
    %sign3A_1696 = arith.constant 0 : i32
    %sign3A_1697 = arith.cmpi slt, %jit3A_1684, %sign3A_1696 : i32
    %sign3A_1698 = arith.extui %sign3A_1697 : i1 to i32
    %sign3A_1699 = arith.subi %sign3A_1695, %sign3A_1698 : i32
    %ne3A_1700 = arith.cmpi ne, %sign3A_1692, %sign3A_1699 : i32
    %rem3A_1701 = arith.remsi %add3A_1415, %jit3A_1684 : i32
    %ne3A_1702 = arith.constant 0 : i32
    %ne3A_1703 = arith.cmpi ne, %rem3A_1701, %ne3A_1702 : i32
    %and3A_1704 = arith.andi %ne3A_1700, %ne3A_1703 : i1
    %sub3A_1705 = arith.constant 1 : i32
    %sub3A_1706 = arith.subi %div3A_1685, %sub3A_1705 : i32
    %select_n3A_1707 = arith.select %and3A_1704, %sub3A_1706, %div3A_1685 : i32
    %mul3A_1708 = arith.constant 16 : i32
    %mul3A_1709 = arith.muli %select_n3A_1707, %mul3A_1708 : i32
    %get3A_1710 = arith.constant 2 : i32
    %get3A_1711 = arith.constant 4 : i32
    %get3A_1712 = arith.index_cast %get3A_1710 : i32 to index
    %get3A_1713 = arith.index_cast %get3A_1711 : i32 to index
    %get3A_1714 = arith.index_cast %mul3A_1709 : i32 to index
    %get3A_1715 = tpu.vector_load %arg6[%get3A_1712, %get3A_1713, %get3A_1714] {strides = array<i32>} : memref<4x8x128xf32, #tpu.memory_space<vmem>>, vector<16xf32>,
    %jit3A_1716 = arith.constant 16 : i32
    %eq3A_1717 = arith.constant 0 : i32
    %eq3A_1718 = arith.cmpi eq, %jit3A_1716, %eq3A_1717 : i32
    %jit3A_1719 = arith.constant 1 : i32
    %select_n3A_1720 = arith.select %eq3A_1718, %jit3A_1719, %jit3A_1716 : i32
    %rem3A_1721 = arith.remsi %add3A_1415, %select_n3A_1720 : i32
    %ne3A_1722 = arith.constant 0 : i32
    %ne3A_1723 = arith.cmpi ne, %rem3A_1721, %ne3A_1722 : i32
    %lt3A_1724 = arith.constant 0 : i32
    %lt3A_1725 = arith.cmpi slt, %rem3A_1721, %lt3A_1724 : i32
    %lt3A_1726 = arith.constant 0 : i32
    %lt3A_1727 = arith.cmpi slt, %select_n3A_1720, %lt3A_1726 : i32
    %ne3A_1728 = arith.xori %lt3A_1725, %lt3A_1727 : i1
    %and3A_1729 = arith.andi %ne3A_1728, %ne3A_1723 : i1
    %add3A_1730 = arith.addi %rem3A_1721, %select_n3A_1720 : i32
    %select_n3A_1731 = arith.select %and3A_1729, %add3A_1730, %rem3A_1721 : i32
    %eq3A_1732 = vector.broadcast %select_n3A_1731 : i32 to vector<16xi32>
    %eq3A_1733 = arith.cmpi eq, %iota3A, %eq3A_1732 : vector<16xi32>
    %jit3A_1734 = arith.constant -3.000000e+38 : f32
    %broadcast_in_dim3A_1735 = vector.broadcast %jit3A_1734 : f32 to vector<16xf32>
    %select_n3A_1736 = arith.select %eq3A_1733, %get3A_1715, %broadcast_in_dim3A_1735 : vector<16xi1>, vector<16xf32>
    %reduce_max3A_1737 = arith.constant true
    %reduce_max3A_1738 = vector.broadcast %reduce_max3A_1737 : i1 to vector<16xi1>
    %reduce_max3A_1739 = tpu.scan <max>, %select_n3A_1736 masked %reduce_max3A_1738 : vector<16xf32>, vector<16xi1> -> vector<16xf32>
    %reduce_max3A_1740 = vector.extract %reduce_max3A_1739[15] : f32 from vector<16xf32>
    %eq3A_1741 = arith.constant 4 : i32
    %eq3A_1742 = arith.cmpi eq, %sub3A_1442, %eq3A_1741 : i32
    %select_n3A_1743 = arith.select %eq3A_1742, %reduce_max3A_1740, %select_n3A_1683 : f32
    %jit3A_1744 = arith.constant 16 : i32
    %div3A_1745 = arith.divsi %add3A_1415, %jit3A_1744 : i32
    %sign3A_1746 = arith.constant 0 : i32
    %sign3A_1747 = arith.cmpi sgt, %add3A_1415, %sign3A_1746 : i32
    %sign3A_1748 = arith.extui %sign3A_1747 : i1 to i32
    %sign3A_1749 = arith.constant 0 : i32
    %sign3A_1750 = arith.cmpi slt, %add3A_1415, %sign3A_1749 : i32
    %sign3A_1751 = arith.extui %sign3A_1750 : i1 to i32
    %sign3A_1752 = arith.subi %sign3A_1748, %sign3A_1751 : i32
    %sign3A_1753 = arith.constant 0 : i32
    %sign3A_1754 = arith.cmpi sgt, %jit3A_1744, %sign3A_1753 : i32
    %sign3A_1755 = arith.extui %sign3A_1754 : i1 to i32
    %sign3A_1756 = arith.constant 0 : i32
    %sign3A_1757 = arith.cmpi slt, %jit3A_1744, %sign3A_1756 : i32
    %sign3A_1758 = arith.extui %sign3A_1757 : i1 to i32
    %sign3A_1759 = arith.subi %sign3A_1755, %sign3A_1758 : i32
    %ne3A_1760 = arith.cmpi ne, %sign3A_1752, %sign3A_1759 : i32
    %rem3A_1761 = arith.remsi %add3A_1415, %jit3A_1744 : i32
    %ne3A_1762 = arith.constant 0 : i32
    %ne3A_1763 = arith.cmpi ne, %rem3A_1761, %ne3A_1762 : i32
    %and3A_1764 = arith.andi %ne3A_1760, %ne3A_1763 : i1
    %sub3A_1765 = arith.constant 1 : i32
    %sub3A_1766 = arith.subi %div3A_1745, %sub3A_1765 : i32
    %select_n3A_1767 = arith.select %and3A_1764, %sub3A_1766, %div3A_1745 : i32
    %mul3A_1768 = arith.constant 16 : i32
    %mul3A_1769 = arith.muli %select_n3A_1767, %mul3A_1768 : i32
    %get3A_1770 = arith.constant 2 : i32
    %get3A_1771 = arith.constant 5 : i32
    %get3A_1772 = arith.index_cast %get3A_1770 : i32 to index
    %get3A_1773 = arith.index_cast %get3A_1771 : i32 to index
    %get3A_1774 = arith.index_cast %mul3A_1769 : i32 to index
    %get3A_1775 = tpu.vector_load %arg6[%get3A_1772, %get3A_1773, %get3A_1774] {strides = array<i32>} : memref<4x8x128xf32, #tpu.memory_space<vmem>>, vector<16xf32>,
    %jit3A_1776 = arith.constant 16 : i32
    %eq3A_1777 = arith.constant 0 : i32
    %eq3A_1778 = arith.cmpi eq, %jit3A_1776, %eq3A_1777 : i32
    %jit3A_1779 = arith.constant 1 : i32
    %select_n3A_1780 = arith.select %eq3A_1778, %jit3A_1779, %jit3A_1776 : i32
    %rem3A_1781 = arith.remsi %add3A_1415, %select_n3A_1780 : i32
    %ne3A_1782 = arith.constant 0 : i32
    %ne3A_1783 = arith.cmpi ne, %rem3A_1781, %ne3A_1782 : i32
    %lt3A_1784 = arith.constant 0 : i32
    %lt3A_1785 = arith.cmpi slt, %rem3A_1781, %lt3A_1784 : i32
    %lt3A_1786 = arith.constant 0 : i32
    %lt3A_1787 = arith.cmpi slt, %select_n3A_1780, %lt3A_1786 : i32
    %ne3A_1788 = arith.xori %lt3A_1785, %lt3A_1787 : i1
    %and3A_1789 = arith.andi %ne3A_1788, %ne3A_1783 : i1
    %add3A_1790 = arith.addi %rem3A_1781, %select_n3A_1780 : i32
    %select_n3A_1791 = arith.select %and3A_1789, %add3A_1790, %rem3A_1781 : i32
    %eq3A_1792 = vector.broadcast %select_n3A_1791 : i32 to vector<16xi32>
    %eq3A_1793 = arith.cmpi eq, %iota3A, %eq3A_1792 : vector<16xi32>
    %jit3A_1794 = arith.constant -3.000000e+38 : f32
    %broadcast_in_dim3A_1795 = vector.broadcast %jit3A_1794 : f32 to vector<16xf32>
    %select_n3A_1796 = arith.select %eq3A_1793, %get3A_1775, %broadcast_in_dim3A_1795 : vector<16xi1>, vector<16xf32>
    %reduce_max3A_1797 = arith.constant true
    %reduce_max3A_1798 = vector.broadcast %reduce_max3A_1797 : i1 to vector<16xi1>
    %reduce_max3A_1799 = tpu.scan <max>, %select_n3A_1796 masked %reduce_max3A_1798 : vector<16xf32>, vector<16xi1> -> vector<16xf32>
    %reduce_max3A_1800 = vector.extract %reduce_max3A_1799[15] : f32 from vector<16xf32>
    %eq3A_1801 = arith.constant 5 : i32
    %eq3A_1802 = arith.cmpi eq, %sub3A_1442, %eq3A_1801 : i32
    %select_n3A_1803 = arith.select %eq3A_1802, %reduce_max3A_1800, %select_n3A_1743 : f32
    %jit3A_1804 = arith.constant 16 : i32
    %div3A_1805 = arith.divsi %add3A_1415, %jit3A_1804 : i32
    %sign3A_1806 = arith.constant 0 : i32
    %sign3A_1807 = arith.cmpi sgt, %add3A_1415, %sign3A_1806 : i32
    %sign3A_1808 = arith.extui %sign3A_1807 : i1 to i32
    %sign3A_1809 = arith.constant 0 : i32
    %sign3A_1810 = arith.cmpi slt, %add3A_1415, %sign3A_1809 : i32
    %sign3A_1811 = arith.extui %sign3A_1810 : i1 to i32
    %sign3A_1812 = arith.subi %sign3A_1808, %sign3A_1811 : i32
    %sign3A_1813 = arith.constant 0 : i32
    %sign3A_1814 = arith.cmpi sgt, %jit3A_1804, %sign3A_1813 : i32
    %sign3A_1815 = arith.extui %sign3A_1814 : i1 to i32
    %sign3A_1816 = arith.constant 0 : i32
    %sign3A_1817 = arith.cmpi slt, %jit3A_1804, %sign3A_1816 : i32
    %sign3A_1818 = arith.extui %sign3A_1817 : i1 to i32
    %sign3A_1819 = arith.subi %sign3A_1815, %sign3A_1818 : i32
    %ne3A_1820 = arith.cmpi ne, %sign3A_1812, %sign3A_1819 : i32
    %rem3A_1821 = arith.remsi %add3A_1415, %jit3A_1804 : i32
    %ne3A_1822 = arith.constant 0 : i32
    %ne3A_1823 = arith.cmpi ne, %rem3A_1821, %ne3A_1822 : i32
    %and3A_1824 = arith.andi %ne3A_1820, %ne3A_1823 : i1
    %sub3A_1825 = arith.constant 1 : i32
    %sub3A_1826 = arith.subi %div3A_1805, %sub3A_1825 : i32
    %select_n3A_1827 = arith.select %and3A_1824, %sub3A_1826, %div3A_1805 : i32
    %mul3A_1828 = arith.constant 16 : i32
    %mul3A_1829 = arith.muli %select_n3A_1827, %mul3A_1828 : i32
    %get3A_1830 = arith.constant 2 : i32
    %get3A_1831 = arith.constant 6 : i32
    %get3A_1832 = arith.index_cast %get3A_1830 : i32 to index
    %get3A_1833 = arith.index_cast %get3A_1831 : i32 to index
    %get3A_1834 = arith.index_cast %mul3A_1829 : i32 to index
    %get3A_1835 = tpu.vector_load %arg6[%get3A_1832, %get3A_1833, %get3A_1834] {strides = array<i32>} : memref<4x8x128xf32, #tpu.memory_space<vmem>>, vector<16xf32>,
    %jit3A_1836 = arith.constant 16 : i32
    %eq3A_1837 = arith.constant 0 : i32
    %eq3A_1838 = arith.cmpi eq, %jit3A_1836, %eq3A_1837 : i32
    %jit3A_1839 = arith.constant 1 : i32
    %select_n3A_1840 = arith.select %eq3A_1838, %jit3A_1839, %jit3A_1836 : i32
    %rem3A_1841 = arith.remsi %add3A_1415, %select_n3A_1840 : i32
    %ne3A_1842 = arith.constant 0 : i32
    %ne3A_1843 = arith.cmpi ne, %rem3A_1841, %ne3A_1842 : i32
    %lt3A_1844 = arith.constant 0 : i32
    %lt3A_1845 = arith.cmpi slt, %rem3A_1841, %lt3A_1844 : i32
    %lt3A_1846 = arith.constant 0 : i32
    %lt3A_1847 = arith.cmpi slt, %select_n3A_1840, %lt3A_1846 : i32
    %ne3A_1848 = arith.xori %lt3A_1845, %lt3A_1847 : i1
    %and3A_1849 = arith.andi %ne3A_1848, %ne3A_1843 : i1
    %add3A_1850 = arith.addi %rem3A_1841, %select_n3A_1840 : i32
    %select_n3A_1851 = arith.select %and3A_1849, %add3A_1850, %rem3A_1841 : i32
    %eq3A_1852 = vector.broadcast %select_n3A_1851 : i32 to vector<16xi32>
    %eq3A_1853 = arith.cmpi eq, %iota3A, %eq3A_1852 : vector<16xi32>
    %jit3A_1854 = arith.constant -3.000000e+38 : f32
    %broadcast_in_dim3A_1855 = vector.broadcast %jit3A_1854 : f32 to vector<16xf32>
    %select_n3A_1856 = arith.select %eq3A_1853, %get3A_1835, %broadcast_in_dim3A_1855 : vector<16xi1>, vector<16xf32>
    %reduce_max3A_1857 = arith.constant true
    %reduce_max3A_1858 = vector.broadcast %reduce_max3A_1857 : i1 to vector<16xi1>
    %reduce_max3A_1859 = tpu.scan <max>, %select_n3A_1856 masked %reduce_max3A_1858 : vector<16xf32>, vector<16xi1> -> vector<16xf32>
    %reduce_max3A_1860 = vector.extract %reduce_max3A_1859[15] : f32 from vector<16xf32>
    %eq3A_1861 = arith.constant 6 : i32
    %eq3A_1862 = arith.cmpi eq, %sub3A_1442, %eq3A_1861 : i32
    %select_n3A_1863 = arith.select %eq3A_1862, %reduce_max3A_1860, %select_n3A_1803 : f32
    %jit3A_1864 = arith.constant 16 : i32
    %div3A_1865 = arith.divsi %add3A_1415, %jit3A_1864 : i32
    %sign3A_1866 = arith.constant 0 : i32
    %sign3A_1867 = arith.cmpi sgt, %add3A_1415, %sign3A_1866 : i32
    %sign3A_1868 = arith.extui %sign3A_1867 : i1 to i32
    %sign3A_1869 = arith.constant 0 : i32
    %sign3A_1870 = arith.cmpi slt, %add3A_1415, %sign3A_1869 : i32
    %sign3A_1871 = arith.extui %sign3A_1870 : i1 to i32
    %sign3A_1872 = arith.subi %sign3A_1868, %sign3A_1871 : i32
    %sign3A_1873 = arith.constant 0 : i32
    %sign3A_1874 = arith.cmpi sgt, %jit3A_1864, %sign3A_1873 : i32
    %sign3A_1875 = arith.extui %sign3A_1874 : i1 to i32
    %sign3A_1876 = arith.constant 0 : i32
    %sign3A_1877 = arith.cmpi slt, %jit3A_1864, %sign3A_1876 : i32
    %sign3A_1878 = arith.extui %sign3A_1877 : i1 to i32
    %sign3A_1879 = arith.subi %sign3A_1875, %sign3A_1878 : i32
    %ne3A_1880 = arith.cmpi ne, %sign3A_1872, %sign3A_1879 : i32
    %rem3A_1881 = arith.remsi %add3A_1415, %jit3A_1864 : i32
    %ne3A_1882 = arith.constant 0 : i32
    %ne3A_1883 = arith.cmpi ne, %rem3A_1881, %ne3A_1882 : i32
    %and3A_1884 = arith.andi %ne3A_1880, %ne3A_1883 : i1
    %sub3A_1885 = arith.constant 1 : i32
    %sub3A_1886 = arith.subi %div3A_1865, %sub3A_1885 : i32
    %select_n3A_1887 = arith.select %and3A_1884, %sub3A_1886, %div3A_1865 : i32
    %mul3A_1888 = arith.constant 16 : i32
    %mul3A_1889 = arith.muli %select_n3A_1887, %mul3A_1888 : i32
    %get3A_1890 = arith.constant 2 : i32
    %get3A_1891 = arith.constant 7 : i32
    %get3A_1892 = arith.index_cast %get3A_1890 : i32 to index
    %get3A_1893 = arith.index_cast %get3A_1891 : i32 to index
    %get3A_1894 = arith.index_cast %mul3A_1889 : i32 to index
    %get3A_1895 = tpu.vector_load %arg6[%get3A_1892, %get3A_1893, %get3A_1894] {strides = array<i32>} : memref<4x8x128xf32, #tpu.memory_space<vmem>>, vector<16xf32>,
    %jit3A_1896 = arith.constant 16 : i32
    %eq3A_1897 = arith.constant 0 : i32
    %eq3A_1898 = arith.cmpi eq, %jit3A_1896, %eq3A_1897 : i32
    %jit3A_1899 = arith.constant 1 : i32
    %select_n3A_1900 = arith.select %eq3A_1898, %jit3A_1899, %jit3A_1896 : i32
    %rem3A_1901 = arith.remsi %add3A_1415, %select_n3A_1900 : i32
    %ne3A_1902 = arith.constant 0 : i32
    %ne3A_1903 = arith.cmpi ne, %rem3A_1901, %ne3A_1902 : i32
    %lt3A_1904 = arith.constant 0 : i32
    %lt3A_1905 = arith.cmpi slt, %rem3A_1901, %lt3A_1904 : i32
    %lt3A_1906 = arith.constant 0 : i32
    %lt3A_1907 = arith.cmpi slt, %select_n3A_1900, %lt3A_1906 : i32
    %ne3A_1908 = arith.xori %lt3A_1905, %lt3A_1907 : i1
    %and3A_1909 = arith.andi %ne3A_1908, %ne3A_1903 : i1
    %add3A_1910 = arith.addi %rem3A_1901, %select_n3A_1900 : i32
    %select_n3A_1911 = arith.select %and3A_1909, %add3A_1910, %rem3A_1901 : i32
    %eq3A_1912 = vector.broadcast %select_n3A_1911 : i32 to vector<16xi32>
    %eq3A_1913 = arith.cmpi eq, %iota3A, %eq3A_1912 : vector<16xi32>
    %jit3A_1914 = arith.constant -3.000000e+38 : f32
    %broadcast_in_dim3A_1915 = vector.broadcast %jit3A_1914 : f32 to vector<16xf32>
    %select_n3A_1916 = arith.select %eq3A_1913, %get3A_1895, %broadcast_in_dim3A_1915 : vector<16xi1>, vector<16xf32>
    %reduce_max3A_1917 = arith.constant true
    %reduce_max3A_1918 = vector.broadcast %reduce_max3A_1917 : i1 to vector<16xi1>
    %reduce_max3A_1919 = tpu.scan <max>, %select_n3A_1916 masked %reduce_max3A_1918 : vector<16xf32>, vector<16xi1> -> vector<16xf32>
    %reduce_max3A_1920 = vector.extract %reduce_max3A_1919[15] : f32 from vector<16xf32>
    %eq3A_1921 = arith.constant 7 : i32
    %eq3A_1922 = arith.cmpi eq, %sub3A_1442, %eq3A_1921 : i32
    %select_n3A_1923 = arith.select %eq3A_1922, %reduce_max3A_1920, %select_n3A_1863 : f32
    %eq3A_1924 = arith.constant 2 : i32
    %eq3A_1925 = vector.broadcast %eq3A_1924 : i32 to vector<16xi32>
    %eq3A_1926 = arith.cmpi eq, %iota3A, %eq3A_1925 : vector<16xi32>
    %broadcast_in_dim3A_1927 = vector.broadcast %select_n3A_1923 : f32 to vector<16xf32>
    %select_n3A_1928 = arith.select %eq3A_1926, %broadcast_in_dim3A_1927, %select_n3A_1400 : vector<16xi1>, vector<16xf32>
    %dma_wait3A_1929 = arith.constant 3 : i32
    %dma_wait3A_1930 = arith.constant 0 : i32
    %dma_wait3A_1931 = arith.constant 0 : i32
    %dma_wait3A_1932 = tpu.memref_slice %arg6[%dma_wait3A_1929, %dma_wait3A_1930, %dma_wait3A_1931] : memref<4x8x128xf32, #tpu.memory_space<vmem>> -> memref<1x8x128xf32, #tpu.memory_space<vmem>>
    %dma_wait3A_1933 = tpu.memref_squeeze %dma_wait3A_1932 : memref<1x8x128xf32, #tpu.memory_space<vmem>> -> memref<8x128xf32, #tpu.memory_space<vmem>>
    %dma_wait3A_1934 = arith.constant 0 : i32
    %dma_wait3A_1935 = tpu.memref_slice %arg2[%multiple_of3A_331, %dma_wait3A_1934] : memref<100000x128xf32, #tpu.memory_space<hbm>> -> memref<8x128xf32, #tpu.memory_space<hbm>>
    %dma_wait3A_1936 = arith.constant 0 : i32
    %dma_wait3A_1937 = arith.constant 0 : i32
    %dma_wait3A_1938 = tpu.memref_slice %arg6[%dma_wait3A_1929, %dma_wait3A_1936, %dma_wait3A_1937] : memref<4x8x128xf32, #tpu.memory_space<vmem>> -> memref<1x8x128xf32, #tpu.memory_space<vmem>>
    %dma_wait3A_1939 = tpu.memref_squeeze %dma_wait3A_1938 : memref<1x8x128xf32, #tpu.memory_space<vmem>> -> memref<8x128xf32, #tpu.memory_space<vmem>>
    %dma_wait3A_1940 = arith.constant 0 : i32
    %dma_wait3A_1941 = tpu.memref_slice %arg2[%multiple_of3A_331, %dma_wait3A_1940] : memref<100000x128xf32, #tpu.memory_space<hbm>> -> memref<8x128xf32, #tpu.memory_space<hbm>>
    tpu.wait_dma2 semaphore(%arg8 : memref<!tpu.dma_semaphore, #tpu.memory_space<semaphore_mem>>) src(%dma_wait3A_1941 : memref<8x128xf32, #tpu.memory_space<hbm>>) dst(%dma_wait3A_1939 : memref<8x128xf32, #tpu.memory_space<vmem>>)
    %add3A_1942 = arith.constant 3 : i32
    %add3A_1943 = arith.addi %mul3A_2, %add3A_1942 : i32
    %jit3A_1944 = arith.constant 8 : i32
    %div3A_1945 = arith.divsi %reduce_max3A_304, %jit3A_1944 : i32
    %sign3A_1946 = arith.constant 0 : i32
    %sign3A_1947 = arith.cmpi sgt, %reduce_max3A_304, %sign3A_1946 : i32
    %sign3A_1948 = arith.extui %sign3A_1947 : i1 to i32
    %sign3A_1949 = arith.constant 0 : i32
    %sign3A_1950 = arith.cmpi slt, %reduce_max3A_304, %sign3A_1949 : i32
    %sign3A_1951 = arith.extui %sign3A_1950 : i1 to i32
    %sign3A_1952 = arith.subi %sign3A_1948, %sign3A_1951 : i32
    %sign3A_1953 = arith.constant 0 : i32
    %sign3A_1954 = arith.cmpi sgt, %jit3A_1944, %sign3A_1953 : i32
    %sign3A_1955 = arith.extui %sign3A_1954 : i1 to i32
    %sign3A_1956 = arith.constant 0 : i32
    %sign3A_1957 = arith.cmpi slt, %jit3A_1944, %sign3A_1956 : i32
    %sign3A_1958 = arith.extui %sign3A_1957 : i1 to i32
    %sign3A_1959 = arith.subi %sign3A_1955, %sign3A_1958 : i32
    %ne3A_1960 = arith.cmpi ne, %sign3A_1952, %sign3A_1959 : i32
    %rem3A_1961 = arith.remsi %reduce_max3A_304, %jit3A_1944 : i32
    %ne3A_1962 = arith.constant 0 : i32
    %ne3A_1963 = arith.cmpi ne, %rem3A_1961, %ne3A_1962 : i32
    %and3A_1964 = arith.andi %ne3A_1960, %ne3A_1963 : i1
    %sub3A_1965 = arith.constant 1 : i32
    %sub3A_1966 = arith.subi %div3A_1945, %sub3A_1965 : i32
    %select_n3A_1967 = arith.select %and3A_1964, %sub3A_1966, %div3A_1945 : i32
    %mul3A_1968 = arith.constant 8 : i32
    %mul3A_1969 = arith.muli %select_n3A_1967, %mul3A_1968 : i32
    %sub3A_1970 = arith.subi %reduce_max3A_304, %mul3A_1969 : i32
    %jit3A_1971 = arith.constant 16 : i32
    %div3A_1972 = arith.divsi %add3A_1943, %jit3A_1971 : i32
    %sign3A_1973 = arith.constant 0 : i32
    %sign3A_1974 = arith.cmpi sgt, %add3A_1943, %sign3A_1973 : i32
    %sign3A_1975 = arith.extui %sign3A_1974 : i1 to i32
    %sign3A_1976 = arith.constant 0 : i32
    %sign3A_1977 = arith.cmpi slt, %add3A_1943, %sign3A_1976 : i32
    %sign3A_1978 = arith.extui %sign3A_1977 : i1 to i32
    %sign3A_1979 = arith.subi %sign3A_1975, %sign3A_1978 : i32
    %sign3A_1980 = arith.constant 0 : i32
    %sign3A_1981 = arith.cmpi sgt, %jit3A_1971, %sign3A_1980 : i32
    %sign3A_1982 = arith.extui %sign3A_1981 : i1 to i32
    %sign3A_1983 = arith.constant 0 : i32
    %sign3A_1984 = arith.cmpi slt, %jit3A_1971, %sign3A_1983 : i32
    %sign3A_1985 = arith.extui %sign3A_1984 : i1 to i32
    %sign3A_1986 = arith.subi %sign3A_1982, %sign3A_1985 : i32
    %ne3A_1987 = arith.cmpi ne, %sign3A_1979, %sign3A_1986 : i32
    %rem3A_1988 = arith.remsi %add3A_1943, %jit3A_1971 : i32
    %ne3A_1989 = arith.constant 0 : i32
    %ne3A_1990 = arith.cmpi ne, %rem3A_1988, %ne3A_1989 : i32
    %and3A_1991 = arith.andi %ne3A_1987, %ne3A_1990 : i1
    %sub3A_1992 = arith.constant 1 : i32
    %sub3A_1993 = arith.subi %div3A_1972, %sub3A_1992 : i32
    %select_n3A_1994 = arith.select %and3A_1991, %sub3A_1993, %div3A_1972 : i32
    %mul3A_1995 = arith.constant 16 : i32
    %mul3A_1996 = arith.muli %select_n3A_1994, %mul3A_1995 : i32
    %get3A_1997 = arith.constant 3 : i32
    %get3A_1998 = arith.constant 0 : i32
    %get3A_1999 = arith.index_cast %get3A_1997 : i32 to index
    %get3A_2000 = arith.index_cast %get3A_1998 : i32 to index
    %get3A_2001 = arith.index_cast %mul3A_1996 : i32 to index
    %get3A_2002 = tpu.vector_load %arg6[%get3A_1999, %get3A_2000, %get3A_2001] {strides = array<i32>} : memref<4x8x128xf32, #tpu.memory_space<vmem>>, vector<16xf32>,
    %jit3A_2003 = arith.constant 16 : i32
    %eq3A_2004 = arith.constant 0 : i32
    %eq3A_2005 = arith.cmpi eq, %jit3A_2003, %eq3A_2004 : i32
    %jit3A_2006 = arith.constant 1 : i32
    %select_n3A_2007 = arith.select %eq3A_2005, %jit3A_2006, %jit3A_2003 : i32
    %rem3A_2008 = arith.remsi %add3A_1943, %select_n3A_2007 : i32
    %ne3A_2009 = arith.constant 0 : i32
    %ne3A_2010 = arith.cmpi ne, %rem3A_2008, %ne3A_2009 : i32
    %lt3A_2011 = arith.constant 0 : i32
    %lt3A_2012 = arith.cmpi slt, %rem3A_2008, %lt3A_2011 : i32
    %lt3A_2013 = arith.constant 0 : i32
    %lt3A_2014 = arith.cmpi slt, %select_n3A_2007, %lt3A_2013 : i32
    %ne3A_2015 = arith.xori %lt3A_2012, %lt3A_2014 : i1
    %and3A_2016 = arith.andi %ne3A_2015, %ne3A_2010 : i1
    %add3A_2017 = arith.addi %rem3A_2008, %select_n3A_2007 : i32
    %select_n3A_2018 = arith.select %and3A_2016, %add3A_2017, %rem3A_2008 : i32
    %eq3A_2019 = vector.broadcast %select_n3A_2018 : i32 to vector<16xi32>
    %eq3A_2020 = arith.cmpi eq, %iota3A, %eq3A_2019 : vector<16xi32>
    %jit3A_2021 = arith.constant -3.000000e+38 : f32
    %broadcast_in_dim3A_2022 = vector.broadcast %jit3A_2021 : f32 to vector<16xf32>
    %select_n3A_2023 = arith.select %eq3A_2020, %get3A_2002, %broadcast_in_dim3A_2022 : vector<16xi1>, vector<16xf32>
    %reduce_max3A_2024 = arith.constant true
    %reduce_max3A_2025 = vector.broadcast %reduce_max3A_2024 : i1 to vector<16xi1>
    %reduce_max3A_2026 = tpu.scan <max>, %select_n3A_2023 masked %reduce_max3A_2025 : vector<16xf32>, vector<16xi1> -> vector<16xf32>
    %reduce_max3A_2027 = vector.extract %reduce_max3A_2026[15] : f32 from vector<16xf32>
    %eq3A_2028 = arith.constant 0 : i32
    %eq3A_2029 = arith.cmpi eq, %sub3A_1970, %eq3A_2028 : i32
    %jit3A_2030 = arith.constant -3.000000e+38 : f32
    %select_n3A_2031 = arith.select %eq3A_2029, %reduce_max3A_2027, %jit3A_2030 : f32
    %jit3A_2032 = arith.constant 16 : i32
    %div3A_2033 = arith.divsi %add3A_1943, %jit3A_2032 : i32
    %sign3A_2034 = arith.constant 0 : i32
    %sign3A_2035 = arith.cmpi sgt, %add3A_1943, %sign3A_2034 : i32
    %sign3A_2036 = arith.extui %sign3A_2035 : i1 to i32
    %sign3A_2037 = arith.constant 0 : i32
    %sign3A_2038 = arith.cmpi slt, %add3A_1943, %sign3A_2037 : i32
    %sign3A_2039 = arith.extui %sign3A_2038 : i1 to i32
    %sign3A_2040 = arith.subi %sign3A_2036, %sign3A_2039 : i32
    %sign3A_2041 = arith.constant 0 : i32
    %sign3A_2042 = arith.cmpi sgt, %jit3A_2032, %sign3A_2041 : i32
    %sign3A_2043 = arith.extui %sign3A_2042 : i1 to i32
    %sign3A_2044 = arith.constant 0 : i32
    %sign3A_2045 = arith.cmpi slt, %jit3A_2032, %sign3A_2044 : i32
    %sign3A_2046 = arith.extui %sign3A_2045 : i1 to i32
    %sign3A_2047 = arith.subi %sign3A_2043, %sign3A_2046 : i32
    %ne3A_2048 = arith.cmpi ne, %sign3A_2040, %sign3A_2047 : i32
    %rem3A_2049 = arith.remsi %add3A_1943, %jit3A_2032 : i32
    %ne3A_2050 = arith.constant 0 : i32
    %ne3A_2051 = arith.cmpi ne, %rem3A_2049, %ne3A_2050 : i32
    %and3A_2052 = arith.andi %ne3A_2048, %ne3A_2051 : i1
    %sub3A_2053 = arith.constant 1 : i32
    %sub3A_2054 = arith.subi %div3A_2033, %sub3A_2053 : i32
    %select_n3A_2055 = arith.select %and3A_2052, %sub3A_2054, %div3A_2033 : i32
    %mul3A_2056 = arith.constant 16 : i32
    %mul3A_2057 = arith.muli %select_n3A_2055, %mul3A_2056 : i32
    %get3A_2058 = arith.constant 3 : i32
    %get3A_2059 = arith.constant 1 : i32
    %get3A_2060 = arith.index_cast %get3A_2058 : i32 to index
    %get3A_2061 = arith.index_cast %get3A_2059 : i32 to index
    %get3A_2062 = arith.index_cast %mul3A_2057 : i32 to index
    %get3A_2063 = tpu.vector_load %arg6[%get3A_2060, %get3A_2061, %get3A_2062] {strides = array<i32>} : memref<4x8x128xf32, #tpu.memory_space<vmem>>, vector<16xf32>,
    %jit3A_2064 = arith.constant 16 : i32
    %eq3A_2065 = arith.constant 0 : i32
    %eq3A_2066 = arith.cmpi eq, %jit3A_2064, %eq3A_2065 : i32
    %jit3A_2067 = arith.constant 1 : i32
    %select_n3A_2068 = arith.select %eq3A_2066, %jit3A_2067, %jit3A_2064 : i32
    %rem3A_2069 = arith.remsi %add3A_1943, %select_n3A_2068 : i32
    %ne3A_2070 = arith.constant 0 : i32
    %ne3A_2071 = arith.cmpi ne, %rem3A_2069, %ne3A_2070 : i32
    %lt3A_2072 = arith.constant 0 : i32
    %lt3A_2073 = arith.cmpi slt, %rem3A_2069, %lt3A_2072 : i32
    %lt3A_2074 = arith.constant 0 : i32
    %lt3A_2075 = arith.cmpi slt, %select_n3A_2068, %lt3A_2074 : i32
    %ne3A_2076 = arith.xori %lt3A_2073, %lt3A_2075 : i1
    %and3A_2077 = arith.andi %ne3A_2076, %ne3A_2071 : i1
    %add3A_2078 = arith.addi %rem3A_2069, %select_n3A_2068 : i32
    %select_n3A_2079 = arith.select %and3A_2077, %add3A_2078, %rem3A_2069 : i32
    %eq3A_2080 = vector.broadcast %select_n3A_2079 : i32 to vector<16xi32>
    %eq3A_2081 = arith.cmpi eq, %iota3A, %eq3A_2080 : vector<16xi32>
    %jit3A_2082 = arith.constant -3.000000e+38 : f32
    %broadcast_in_dim3A_2083 = vector.broadcast %jit3A_2082 : f32 to vector<16xf32>
    %select_n3A_2084 = arith.select %eq3A_2081, %get3A_2063, %broadcast_in_dim3A_2083 : vector<16xi1>, vector<16xf32>
    %reduce_max3A_2085 = arith.constant true
    %reduce_max3A_2086 = vector.broadcast %reduce_max3A_2085 : i1 to vector<16xi1>
    %reduce_max3A_2087 = tpu.scan <max>, %select_n3A_2084 masked %reduce_max3A_2086 : vector<16xf32>, vector<16xi1> -> vector<16xf32>
    %reduce_max3A_2088 = vector.extract %reduce_max3A_2087[15] : f32 from vector<16xf32>
    %eq3A_2089 = arith.constant 1 : i32
    %eq3A_2090 = arith.cmpi eq, %sub3A_1970, %eq3A_2089 : i32
    %select_n3A_2091 = arith.select %eq3A_2090, %reduce_max3A_2088, %select_n3A_2031 : f32
    %jit3A_2092 = arith.constant 16 : i32
    %div3A_2093 = arith.divsi %add3A_1943, %jit3A_2092 : i32
    %sign3A_2094 = arith.constant 0 : i32
    %sign3A_2095 = arith.cmpi sgt, %add3A_1943, %sign3A_2094 : i32
    %sign3A_2096 = arith.extui %sign3A_2095 : i1 to i32
    %sign3A_2097 = arith.constant 0 : i32
    %sign3A_2098 = arith.cmpi slt, %add3A_1943, %sign3A_2097 : i32
    %sign3A_2099 = arith.extui %sign3A_2098 : i1 to i32
    %sign3A_2100 = arith.subi %sign3A_2096, %sign3A_2099 : i32
    %sign3A_2101 = arith.constant 0 : i32
    %sign3A_2102 = arith.cmpi sgt, %jit3A_2092, %sign3A_2101 : i32
    %sign3A_2103 = arith.extui %sign3A_2102 : i1 to i32
    %sign3A_2104 = arith.constant 0 : i32
    %sign3A_2105 = arith.cmpi slt, %jit3A_2092, %sign3A_2104 : i32
    %sign3A_2106 = arith.extui %sign3A_2105 : i1 to i32
    %sign3A_2107 = arith.subi %sign3A_2103, %sign3A_2106 : i32
    %ne3A_2108 = arith.cmpi ne, %sign3A_2100, %sign3A_2107 : i32
    %rem3A_2109 = arith.remsi %add3A_1943, %jit3A_2092 : i32
    %ne3A_2110 = arith.constant 0 : i32
    %ne3A_2111 = arith.cmpi ne, %rem3A_2109, %ne3A_2110 : i32
    %and3A_2112 = arith.andi %ne3A_2108, %ne3A_2111 : i1
    %sub3A_2113 = arith.constant 1 : i32
    %sub3A_2114 = arith.subi %div3A_2093, %sub3A_2113 : i32
    %select_n3A_2115 = arith.select %and3A_2112, %sub3A_2114, %div3A_2093 : i32
    %mul3A_2116 = arith.constant 16 : i32
    %mul3A_2117 = arith.muli %select_n3A_2115, %mul3A_2116 : i32
    %get3A_2118 = arith.constant 3 : i32
    %get3A_2119 = arith.constant 2 : i32
    %get3A_2120 = arith.index_cast %get3A_2118 : i32 to index
    %get3A_2121 = arith.index_cast %get3A_2119 : i32 to index
    %get3A_2122 = arith.index_cast %mul3A_2117 : i32 to index
    %get3A_2123 = tpu.vector_load %arg6[%get3A_2120, %get3A_2121, %get3A_2122] {strides = array<i32>} : memref<4x8x128xf32, #tpu.memory_space<vmem>>, vector<16xf32>,
    %jit3A_2124 = arith.constant 16 : i32
    %eq3A_2125 = arith.constant 0 : i32
    %eq3A_2126 = arith.cmpi eq, %jit3A_2124, %eq3A_2125 : i32
    %jit3A_2127 = arith.constant 1 : i32
    %select_n3A_2128 = arith.select %eq3A_2126, %jit3A_2127, %jit3A_2124 : i32
    %rem3A_2129 = arith.remsi %add3A_1943, %select_n3A_2128 : i32
    %ne3A_2130 = arith.constant 0 : i32
    %ne3A_2131 = arith.cmpi ne, %rem3A_2129, %ne3A_2130 : i32
    %lt3A_2132 = arith.constant 0 : i32
    %lt3A_2133 = arith.cmpi slt, %rem3A_2129, %lt3A_2132 : i32
    %lt3A_2134 = arith.constant 0 : i32
    %lt3A_2135 = arith.cmpi slt, %select_n3A_2128, %lt3A_2134 : i32
    %ne3A_2136 = arith.xori %lt3A_2133, %lt3A_2135 : i1
    %and3A_2137 = arith.andi %ne3A_2136, %ne3A_2131 : i1
    %add3A_2138 = arith.addi %rem3A_2129, %select_n3A_2128 : i32
    %select_n3A_2139 = arith.select %and3A_2137, %add3A_2138, %rem3A_2129 : i32
    %eq3A_2140 = vector.broadcast %select_n3A_2139 : i32 to vector<16xi32>
    %eq3A_2141 = arith.cmpi eq, %iota3A, %eq3A_2140 : vector<16xi32>
    %jit3A_2142 = arith.constant -3.000000e+38 : f32
    %broadcast_in_dim3A_2143 = vector.broadcast %jit3A_2142 : f32 to vector<16xf32>
    %select_n3A_2144 = arith.select %eq3A_2141, %get3A_2123, %broadcast_in_dim3A_2143 : vector<16xi1>, vector<16xf32>
    %reduce_max3A_2145 = arith.constant true
    %reduce_max3A_2146 = vector.broadcast %reduce_max3A_2145 : i1 to vector<16xi1>
    %reduce_max3A_2147 = tpu.scan <max>, %select_n3A_2144 masked %reduce_max3A_2146 : vector<16xf32>, vector<16xi1> -> vector<16xf32>
    %reduce_max3A_2148 = vector.extract %reduce_max3A_2147[15] : f32 from vector<16xf32>
    %eq3A_2149 = arith.constant 2 : i32
    %eq3A_2150 = arith.cmpi eq, %sub3A_1970, %eq3A_2149 : i32
    %select_n3A_2151 = arith.select %eq3A_2150, %reduce_max3A_2148, %select_n3A_2091 : f32
    %jit3A_2152 = arith.constant 16 : i32
    %div3A_2153 = arith.divsi %add3A_1943, %jit3A_2152 : i32
    %sign3A_2154 = arith.constant 0 : i32
    %sign3A_2155 = arith.cmpi sgt, %add3A_1943, %sign3A_2154 : i32
    %sign3A_2156 = arith.extui %sign3A_2155 : i1 to i32
    %sign3A_2157 = arith.constant 0 : i32
    %sign3A_2158 = arith.cmpi slt, %add3A_1943, %sign3A_2157 : i32
    %sign3A_2159 = arith.extui %sign3A_2158 : i1 to i32
    %sign3A_2160 = arith.subi %sign3A_2156, %sign3A_2159 : i32
    %sign3A_2161 = arith.constant 0 : i32
    %sign3A_2162 = arith.cmpi sgt, %jit3A_2152, %sign3A_2161 : i32
    %sign3A_2163 = arith.extui %sign3A_2162 : i1 to i32
    %sign3A_2164 = arith.constant 0 : i32
    %sign3A_2165 = arith.cmpi slt, %jit3A_2152, %sign3A_2164 : i32
    %sign3A_2166 = arith.extui %sign3A_2165 : i1 to i32
    %sign3A_2167 = arith.subi %sign3A_2163, %sign3A_2166 : i32
    %ne3A_2168 = arith.cmpi ne, %sign3A_2160, %sign3A_2167 : i32
    %rem3A_2169 = arith.remsi %add3A_1943, %jit3A_2152 : i32
    %ne3A_2170 = arith.constant 0 : i32
    %ne3A_2171 = arith.cmpi ne, %rem3A_2169, %ne3A_2170 : i32
    %and3A_2172 = arith.andi %ne3A_2168, %ne3A_2171 : i1
    %sub3A_2173 = arith.constant 1 : i32
    %sub3A_2174 = arith.subi %div3A_2153, %sub3A_2173 : i32
    %select_n3A_2175 = arith.select %and3A_2172, %sub3A_2174, %div3A_2153 : i32
    %mul3A_2176 = arith.constant 16 : i32
    %mul3A_2177 = arith.muli %select_n3A_2175, %mul3A_2176 : i32
    %get3A_2178 = arith.constant 3 : i32
    %get3A_2179 = arith.constant 3 : i32
    %get3A_2180 = arith.index_cast %get3A_2178 : i32 to index
    %get3A_2181 = arith.index_cast %get3A_2179 : i32 to index
    %get3A_2182 = arith.index_cast %mul3A_2177 : i32 to index
    %get3A_2183 = tpu.vector_load %arg6[%get3A_2180, %get3A_2181, %get3A_2182] {strides = array<i32>} : memref<4x8x128xf32, #tpu.memory_space<vmem>>, vector<16xf32>,
    %jit3A_2184 = arith.constant 16 : i32
    %eq3A_2185 = arith.constant 0 : i32
    %eq3A_2186 = arith.cmpi eq, %jit3A_2184, %eq3A_2185 : i32
    %jit3A_2187 = arith.constant 1 : i32
    %select_n3A_2188 = arith.select %eq3A_2186, %jit3A_2187, %jit3A_2184 : i32
    %rem3A_2189 = arith.remsi %add3A_1943, %select_n3A_2188 : i32
    %ne3A_2190 = arith.constant 0 : i32
    %ne3A_2191 = arith.cmpi ne, %rem3A_2189, %ne3A_2190 : i32
    %lt3A_2192 = arith.constant 0 : i32
    %lt3A_2193 = arith.cmpi slt, %rem3A_2189, %lt3A_2192 : i32
    %lt3A_2194 = arith.constant 0 : i32
    %lt3A_2195 = arith.cmpi slt, %select_n3A_2188, %lt3A_2194 : i32
    %ne3A_2196 = arith.xori %lt3A_2193, %lt3A_2195 : i1
    %and3A_2197 = arith.andi %ne3A_2196, %ne3A_2191 : i1
    %add3A_2198 = arith.addi %rem3A_2189, %select_n3A_2188 : i32
    %select_n3A_2199 = arith.select %and3A_2197, %add3A_2198, %rem3A_2189 : i32
    %eq3A_2200 = vector.broadcast %select_n3A_2199 : i32 to vector<16xi32>
    %eq3A_2201 = arith.cmpi eq, %iota3A, %eq3A_2200 : vector<16xi32>
    %jit3A_2202 = arith.constant -3.000000e+38 : f32
    %broadcast_in_dim3A_2203 = vector.broadcast %jit3A_2202 : f32 to vector<16xf32>
    %select_n3A_2204 = arith.select %eq3A_2201, %get3A_2183, %broadcast_in_dim3A_2203 : vector<16xi1>, vector<16xf32>
    %reduce_max3A_2205 = arith.constant true
    %reduce_max3A_2206 = vector.broadcast %reduce_max3A_2205 : i1 to vector<16xi1>
    %reduce_max3A_2207 = tpu.scan <max>, %select_n3A_2204 masked %reduce_max3A_2206 : vector<16xf32>, vector<16xi1> -> vector<16xf32>
    %reduce_max3A_2208 = vector.extract %reduce_max3A_2207[15] : f32 from vector<16xf32>
    %eq3A_2209 = arith.constant 3 : i32
    %eq3A_2210 = arith.cmpi eq, %sub3A_1970, %eq3A_2209 : i32
    %select_n3A_2211 = arith.select %eq3A_2210, %reduce_max3A_2208, %select_n3A_2151 : f32
    %jit3A_2212 = arith.constant 16 : i32
    %div3A_2213 = arith.divsi %add3A_1943, %jit3A_2212 : i32
    %sign3A_2214 = arith.constant 0 : i32
    %sign3A_2215 = arith.cmpi sgt, %add3A_1943, %sign3A_2214 : i32
    %sign3A_2216 = arith.extui %sign3A_2215 : i1 to i32
    %sign3A_2217 = arith.constant 0 : i32
    %sign3A_2218 = arith.cmpi slt, %add3A_1943, %sign3A_2217 : i32
    %sign3A_2219 = arith.extui %sign3A_2218 : i1 to i32
    %sign3A_2220 = arith.subi %sign3A_2216, %sign3A_2219 : i32
    %sign3A_2221 = arith.constant 0 : i32
    %sign3A_2222 = arith.cmpi sgt, %jit3A_2212, %sign3A_2221 : i32
    %sign3A_2223 = arith.extui %sign3A_2222 : i1 to i32
    %sign3A_2224 = arith.constant 0 : i32
    %sign3A_2225 = arith.cmpi slt, %jit3A_2212, %sign3A_2224 : i32
    %sign3A_2226 = arith.extui %sign3A_2225 : i1 to i32
    %sign3A_2227 = arith.subi %sign3A_2223, %sign3A_2226 : i32
    %ne3A_2228 = arith.cmpi ne, %sign3A_2220, %sign3A_2227 : i32
    %rem3A_2229 = arith.remsi %add3A_1943, %jit3A_2212 : i32
    %ne3A_2230 = arith.constant 0 : i32
    %ne3A_2231 = arith.cmpi ne, %rem3A_2229, %ne3A_2230 : i32
    %and3A_2232 = arith.andi %ne3A_2228, %ne3A_2231 : i1
    %sub3A_2233 = arith.constant 1 : i32
    %sub3A_2234 = arith.subi %div3A_2213, %sub3A_2233 : i32
    %select_n3A_2235 = arith.select %and3A_2232, %sub3A_2234, %div3A_2213 : i32
    %mul3A_2236 = arith.constant 16 : i32
    %mul3A_2237 = arith.muli %select_n3A_2235, %mul3A_2236 : i32
    %get3A_2238 = arith.constant 3 : i32
    %get3A_2239 = arith.constant 4 : i32
    %get3A_2240 = arith.index_cast %get3A_2238 : i32 to index
    %get3A_2241 = arith.index_cast %get3A_2239 : i32 to index
    %get3A_2242 = arith.index_cast %mul3A_2237 : i32 to index
    %get3A_2243 = tpu.vector_load %arg6[%get3A_2240, %get3A_2241, %get3A_2242] {strides = array<i32>} : memref<4x8x128xf32, #tpu.memory_space<vmem>>, vector<16xf32>,
    %jit3A_2244 = arith.constant 16 : i32
    %eq3A_2245 = arith.constant 0 : i32
    %eq3A_2246 = arith.cmpi eq, %jit3A_2244, %eq3A_2245 : i32
    %jit3A_2247 = arith.constant 1 : i32
    %select_n3A_2248 = arith.select %eq3A_2246, %jit3A_2247, %jit3A_2244 : i32
    %rem3A_2249 = arith.remsi %add3A_1943, %select_n3A_2248 : i32
    %ne3A_2250 = arith.constant 0 : i32
    %ne3A_2251 = arith.cmpi ne, %rem3A_2249, %ne3A_2250 : i32
    %lt3A_2252 = arith.constant 0 : i32
    %lt3A_2253 = arith.cmpi slt, %rem3A_2249, %lt3A_2252 : i32
    %lt3A_2254 = arith.constant 0 : i32
    %lt3A_2255 = arith.cmpi slt, %select_n3A_2248, %lt3A_2254 : i32
    %ne3A_2256 = arith.xori %lt3A_2253, %lt3A_2255 : i1
    %and3A_2257 = arith.andi %ne3A_2256, %ne3A_2251 : i1
    %add3A_2258 = arith.addi %rem3A_2249, %select_n3A_2248 : i32
    %select_n3A_2259 = arith.select %and3A_2257, %add3A_2258, %rem3A_2249 : i32
    %eq3A_2260 = vector.broadcast %select_n3A_2259 : i32 to vector<16xi32>
    %eq3A_2261 = arith.cmpi eq, %iota3A, %eq3A_2260 : vector<16xi32>
    %jit3A_2262 = arith.constant -3.000000e+38 : f32
    %broadcast_in_dim3A_2263 = vector.broadcast %jit3A_2262 : f32 to vector<16xf32>
    %select_n3A_2264 = arith.select %eq3A_2261, %get3A_2243, %broadcast_in_dim3A_2263 : vector<16xi1>, vector<16xf32>
    %reduce_max3A_2265 = arith.constant true
    %reduce_max3A_2266 = vector.broadcast %reduce_max3A_2265 : i1 to vector<16xi1>
    %reduce_max3A_2267 = tpu.scan <max>, %select_n3A_2264 masked %reduce_max3A_2266 : vector<16xf32>, vector<16xi1> -> vector<16xf32>
    %reduce_max3A_2268 = vector.extract %reduce_max3A_2267[15] : f32 from vector<16xf32>
    %eq3A_2269 = arith.constant 4 : i32
    %eq3A_2270 = arith.cmpi eq, %sub3A_1970, %eq3A_2269 : i32
    %select_n3A_2271 = arith.select %eq3A_2270, %reduce_max3A_2268, %select_n3A_2211 : f32
    %jit3A_2272 = arith.constant 16 : i32
    %div3A_2273 = arith.divsi %add3A_1943, %jit3A_2272 : i32
    %sign3A_2274 = arith.constant 0 : i32
    %sign3A_2275 = arith.cmpi sgt, %add3A_1943, %sign3A_2274 : i32
    %sign3A_2276 = arith.extui %sign3A_2275 : i1 to i32
    %sign3A_2277 = arith.constant 0 : i32
    %sign3A_2278 = arith.cmpi slt, %add3A_1943, %sign3A_2277 : i32
    %sign3A_2279 = arith.extui %sign3A_2278 : i1 to i32
    %sign3A_2280 = arith.subi %sign3A_2276, %sign3A_2279 : i32
    %sign3A_2281 = arith.constant 0 : i32
    %sign3A_2282 = arith.cmpi sgt, %jit3A_2272, %sign3A_2281 : i32
    %sign3A_2283 = arith.extui %sign3A_2282 : i1 to i32
    %sign3A_2284 = arith.constant 0 : i32
    %sign3A_2285 = arith.cmpi slt, %jit3A_2272, %sign3A_2284 : i32
    %sign3A_2286 = arith.extui %sign3A_2285 : i1 to i32
    %sign3A_2287 = arith.subi %sign3A_2283, %sign3A_2286 : i32
    %ne3A_2288 = arith.cmpi ne, %sign3A_2280, %sign3A_2287 : i32
    %rem3A_2289 = arith.remsi %add3A_1943, %jit3A_2272 : i32
    %ne3A_2290 = arith.constant 0 : i32
    %ne3A_2291 = arith.cmpi ne, %rem3A_2289, %ne3A_2290 : i32
    %and3A_2292 = arith.andi %ne3A_2288, %ne3A_2291 : i1
    %sub3A_2293 = arith.constant 1 : i32
    %sub3A_2294 = arith.subi %div3A_2273, %sub3A_2293 : i32
    %select_n3A_2295 = arith.select %and3A_2292, %sub3A_2294, %div3A_2273 : i32
    %mul3A_2296 = arith.constant 16 : i32
    %mul3A_2297 = arith.muli %select_n3A_2295, %mul3A_2296 : i32
    %get3A_2298 = arith.constant 3 : i32
    %get3A_2299 = arith.constant 5 : i32
    %get3A_2300 = arith.index_cast %get3A_2298 : i32 to index
    %get3A_2301 = arith.index_cast %get3A_2299 : i32 to index
    %get3A_2302 = arith.index_cast %mul3A_2297 : i32 to index
    %get3A_2303 = tpu.vector_load %arg6[%get3A_2300, %get3A_2301, %get3A_2302] {strides = array<i32>} : memref<4x8x128xf32, #tpu.memory_space<vmem>>, vector<16xf32>,
    %jit3A_2304 = arith.constant 16 : i32
    %eq3A_2305 = arith.constant 0 : i32
    %eq3A_2306 = arith.cmpi eq, %jit3A_2304, %eq3A_2305 : i32
    %jit3A_2307 = arith.constant 1 : i32
    %select_n3A_2308 = arith.select %eq3A_2306, %jit3A_2307, %jit3A_2304 : i32
    %rem3A_2309 = arith.remsi %add3A_1943, %select_n3A_2308 : i32
    %ne3A_2310 = arith.constant 0 : i32
    %ne3A_2311 = arith.cmpi ne, %rem3A_2309, %ne3A_2310 : i32
    %lt3A_2312 = arith.constant 0 : i32
    %lt3A_2313 = arith.cmpi slt, %rem3A_2309, %lt3A_2312 : i32
    %lt3A_2314 = arith.constant 0 : i32
    %lt3A_2315 = arith.cmpi slt, %select_n3A_2308, %lt3A_2314 : i32
    %ne3A_2316 = arith.xori %lt3A_2313, %lt3A_2315 : i1
    %and3A_2317 = arith.andi %ne3A_2316, %ne3A_2311 : i1
    %add3A_2318 = arith.addi %rem3A_2309, %select_n3A_2308 : i32
    %select_n3A_2319 = arith.select %and3A_2317, %add3A_2318, %rem3A_2309 : i32
    %eq3A_2320 = vector.broadcast %select_n3A_2319 : i32 to vector<16xi32>
    %eq3A_2321 = arith.cmpi eq, %iota3A, %eq3A_2320 : vector<16xi32>
    %jit3A_2322 = arith.constant -3.000000e+38 : f32
    %broadcast_in_dim3A_2323 = vector.broadcast %jit3A_2322 : f32 to vector<16xf32>
    %select_n3A_2324 = arith.select %eq3A_2321, %get3A_2303, %broadcast_in_dim3A_2323 : vector<16xi1>, vector<16xf32>
    %reduce_max3A_2325 = arith.constant true
    %reduce_max3A_2326 = vector.broadcast %reduce_max3A_2325 : i1 to vector<16xi1>
    %reduce_max3A_2327 = tpu.scan <max>, %select_n3A_2324 masked %reduce_max3A_2326 : vector<16xf32>, vector<16xi1> -> vector<16xf32>
    %reduce_max3A_2328 = vector.extract %reduce_max3A_2327[15] : f32 from vector<16xf32>
    %eq3A_2329 = arith.constant 5 : i32
    %eq3A_2330 = arith.cmpi eq, %sub3A_1970, %eq3A_2329 : i32
    %select_n3A_2331 = arith.select %eq3A_2330, %reduce_max3A_2328, %select_n3A_2271 : f32
    %jit3A_2332 = arith.constant 16 : i32
    %div3A_2333 = arith.divsi %add3A_1943, %jit3A_2332 : i32
    %sign3A_2334 = arith.constant 0 : i32
    %sign3A_2335 = arith.cmpi sgt, %add3A_1943, %sign3A_2334 : i32
    %sign3A_2336 = arith.extui %sign3A_2335 : i1 to i32
    %sign3A_2337 = arith.constant 0 : i32
    %sign3A_2338 = arith.cmpi slt, %add3A_1943, %sign3A_2337 : i32
    %sign3A_2339 = arith.extui %sign3A_2338 : i1 to i32
    %sign3A_2340 = arith.subi %sign3A_2336, %sign3A_2339 : i32
    %sign3A_2341 = arith.constant 0 : i32
    %sign3A_2342 = arith.cmpi sgt, %jit3A_2332, %sign3A_2341 : i32
    %sign3A_2343 = arith.extui %sign3A_2342 : i1 to i32
    %sign3A_2344 = arith.constant 0 : i32
    %sign3A_2345 = arith.cmpi slt, %jit3A_2332, %sign3A_2344 : i32
    %sign3A_2346 = arith.extui %sign3A_2345 : i1 to i32
    %sign3A_2347 = arith.subi %sign3A_2343, %sign3A_2346 : i32
    %ne3A_2348 = arith.cmpi ne, %sign3A_2340, %sign3A_2347 : i32
    %rem3A_2349 = arith.remsi %add3A_1943, %jit3A_2332 : i32
    %ne3A_2350 = arith.constant 0 : i32
    %ne3A_2351 = arith.cmpi ne, %rem3A_2349, %ne3A_2350 : i32
    %and3A_2352 = arith.andi %ne3A_2348, %ne3A_2351 : i1
    %sub3A_2353 = arith.constant 1 : i32
    %sub3A_2354 = arith.subi %div3A_2333, %sub3A_2353 : i32
    %select_n3A_2355 = arith.select %and3A_2352, %sub3A_2354, %div3A_2333 : i32
    %mul3A_2356 = arith.constant 16 : i32
    %mul3A_2357 = arith.muli %select_n3A_2355, %mul3A_2356 : i32
    %get3A_2358 = arith.constant 3 : i32
    %get3A_2359 = arith.constant 6 : i32
    %get3A_2360 = arith.index_cast %get3A_2358 : i32 to index
    %get3A_2361 = arith.index_cast %get3A_2359 : i32 to index
    %get3A_2362 = arith.index_cast %mul3A_2357 : i32 to index
    %get3A_2363 = tpu.vector_load %arg6[%get3A_2360, %get3A_2361, %get3A_2362] {strides = array<i32>} : memref<4x8x128xf32, #tpu.memory_space<vmem>>, vector<16xf32>,
    %jit3A_2364 = arith.constant 16 : i32
    %eq3A_2365 = arith.constant 0 : i32
    %eq3A_2366 = arith.cmpi eq, %jit3A_2364, %eq3A_2365 : i32
    %jit3A_2367 = arith.constant 1 : i32
    %select_n3A_2368 = arith.select %eq3A_2366, %jit3A_2367, %jit3A_2364 : i32
    %rem3A_2369 = arith.remsi %add3A_1943, %select_n3A_2368 : i32
    %ne3A_2370 = arith.constant 0 : i32
    %ne3A_2371 = arith.cmpi ne, %rem3A_2369, %ne3A_2370 : i32
    %lt3A_2372 = arith.constant 0 : i32
    %lt3A_2373 = arith.cmpi slt, %rem3A_2369, %lt3A_2372 : i32
    %lt3A_2374 = arith.constant 0 : i32
    %lt3A_2375 = arith.cmpi slt, %select_n3A_2368, %lt3A_2374 : i32
    %ne3A_2376 = arith.xori %lt3A_2373, %lt3A_2375 : i1
    %and3A_2377 = arith.andi %ne3A_2376, %ne3A_2371 : i1
    %add3A_2378 = arith.addi %rem3A_2369, %select_n3A_2368 : i32
    %select_n3A_2379 = arith.select %and3A_2377, %add3A_2378, %rem3A_2369 : i32
    %eq3A_2380 = vector.broadcast %select_n3A_2379 : i32 to vector<16xi32>
    %eq3A_2381 = arith.cmpi eq, %iota3A, %eq3A_2380 : vector<16xi32>
    %jit3A_2382 = arith.constant -3.000000e+38 : f32
    %broadcast_in_dim3A_2383 = vector.broadcast %jit3A_2382 : f32 to vector<16xf32>
    %select_n3A_2384 = arith.select %eq3A_2381, %get3A_2363, %broadcast_in_dim3A_2383 : vector<16xi1>, vector<16xf32>
    %reduce_max3A_2385 = arith.constant true
    %reduce_max3A_2386 = vector.broadcast %reduce_max3A_2385 : i1 to vector<16xi1>
    %reduce_max3A_2387 = tpu.scan <max>, %select_n3A_2384 masked %reduce_max3A_2386 : vector<16xf32>, vector<16xi1> -> vector<16xf32>
    %reduce_max3A_2388 = vector.extract %reduce_max3A_2387[15] : f32 from vector<16xf32>
    %eq3A_2389 = arith.constant 6 : i32
    %eq3A_2390 = arith.cmpi eq, %sub3A_1970, %eq3A_2389 : i32
    %select_n3A_2391 = arith.select %eq3A_2390, %reduce_max3A_2388, %select_n3A_2331 : f32
    %jit3A_2392 = arith.constant 16 : i32
    %div3A_2393 = arith.divsi %add3A_1943, %jit3A_2392 : i32
    %sign3A_2394 = arith.constant 0 : i32
    %sign3A_2395 = arith.cmpi sgt, %add3A_1943, %sign3A_2394 : i32
    %sign3A_2396 = arith.extui %sign3A_2395 : i1 to i32
    %sign3A_2397 = arith.constant 0 : i32
    %sign3A_2398 = arith.cmpi slt, %add3A_1943, %sign3A_2397 : i32
    %sign3A_2399 = arith.extui %sign3A_2398 : i1 to i32
    %sign3A_2400 = arith.subi %sign3A_2396, %sign3A_2399 : i32
    %sign3A_2401 = arith.constant 0 : i32
    %sign3A_2402 = arith.cmpi sgt, %jit3A_2392, %sign3A_2401 : i32
    %sign3A_2403 = arith.extui %sign3A_2402 : i1 to i32
    %sign3A_2404 = arith.constant 0 : i32
    %sign3A_2405 = arith.cmpi slt, %jit3A_2392, %sign3A_2404 : i32
    %sign3A_2406 = arith.extui %sign3A_2405 : i1 to i32
    %sign3A_2407 = arith.subi %sign3A_2403, %sign3A_2406 : i32
    %ne3A_2408 = arith.cmpi ne, %sign3A_2400, %sign3A_2407 : i32
    %rem3A_2409 = arith.remsi %add3A_1943, %jit3A_2392 : i32
    %ne3A_2410 = arith.constant 0 : i32
    %ne3A_2411 = arith.cmpi ne, %rem3A_2409, %ne3A_2410 : i32
    %and3A_2412 = arith.andi %ne3A_2408, %ne3A_2411 : i1
    %sub3A_2413 = arith.constant 1 : i32
    %sub3A_2414 = arith.subi %div3A_2393, %sub3A_2413 : i32
    %select_n3A_2415 = arith.select %and3A_2412, %sub3A_2414, %div3A_2393 : i32
    %mul3A_2416 = arith.constant 16 : i32
    %mul3A_2417 = arith.muli %select_n3A_2415, %mul3A_2416 : i32
    %get3A_2418 = arith.constant 3 : i32
    %get3A_2419 = arith.constant 7 : i32
    %get3A_2420 = arith.index_cast %get3A_2418 : i32 to index
    %get3A_2421 = arith.index_cast %get3A_2419 : i32 to index
    %get3A_2422 = arith.index_cast %mul3A_2417 : i32 to index
    %get3A_2423 = tpu.vector_load %arg6[%get3A_2420, %get3A_2421, %get3A_2422] {strides = array<i32>} : memref<4x8x128xf32, #tpu.memory_space<vmem>>, vector<16xf32>,
    %jit3A_2424 = arith.constant 16 : i32
    %eq3A_2425 = arith.constant 0 : i32
    %eq3A_2426 = arith.cmpi eq, %jit3A_2424, %eq3A_2425 : i32
    %jit3A_2427 = arith.constant 1 : i32
    %select_n3A_2428 = arith.select %eq3A_2426, %jit3A_2427, %jit3A_2424 : i32
    %rem3A_2429 = arith.remsi %add3A_1943, %select_n3A_2428 : i32
    %ne3A_2430 = arith.constant 0 : i32
    %ne3A_2431 = arith.cmpi ne, %rem3A_2429, %ne3A_2430 : i32
    %lt3A_2432 = arith.constant 0 : i32
    %lt3A_2433 = arith.cmpi slt, %rem3A_2429, %lt3A_2432 : i32
    %lt3A_2434 = arith.constant 0 : i32
    %lt3A_2435 = arith.cmpi slt, %select_n3A_2428, %lt3A_2434 : i32
    %ne3A_2436 = arith.xori %lt3A_2433, %lt3A_2435 : i1
    %and3A_2437 = arith.andi %ne3A_2436, %ne3A_2431 : i1
    %add3A_2438 = arith.addi %rem3A_2429, %select_n3A_2428 : i32
    %select_n3A_2439 = arith.select %and3A_2437, %add3A_2438, %rem3A_2429 : i32
    %eq3A_2440 = vector.broadcast %select_n3A_2439 : i32 to vector<16xi32>
    %eq3A_2441 = arith.cmpi eq, %iota3A, %eq3A_2440 : vector<16xi32>
    %jit3A_2442 = arith.constant -3.000000e+38 : f32
    %broadcast_in_dim3A_2443 = vector.broadcast %jit3A_2442 : f32 to vector<16xf32>
    %select_n3A_2444 = arith.select %eq3A_2441, %get3A_2423, %broadcast_in_dim3A_2443 : vector<16xi1>, vector<16xf32>
    %reduce_max3A_2445 = arith.constant true
    %reduce_max3A_2446 = vector.broadcast %reduce_max3A_2445 : i1 to vector<16xi1>
    %reduce_max3A_2447 = tpu.scan <max>, %select_n3A_2444 masked %reduce_max3A_2446 : vector<16xf32>, vector<16xi1> -> vector<16xf32>
    %reduce_max3A_2448 = vector.extract %reduce_max3A_2447[15] : f32 from vector<16xf32>
    %eq3A_2449 = arith.constant 7 : i32
    %eq3A_2450 = arith.cmpi eq, %sub3A_1970, %eq3A_2449 : i32
    %select_n3A_2451 = arith.select %eq3A_2450, %reduce_max3A_2448, %select_n3A_2391 : f32
    %eq3A_2452 = arith.constant 3 : i32
    %eq3A_2453 = vector.broadcast %eq3A_2452 : i32 to vector<16xi32>
    %eq3A_2454 = arith.cmpi eq, %iota3A, %eq3A_2453 : vector<16xi32>
    %broadcast_in_dim3A_2455 = vector.broadcast %select_n3A_2451 : f32 to vector<16xf32>
    %select_n3A_2456 = arith.select %eq3A_2454, %broadcast_in_dim3A_2455, %select_n3A_1928 : vector<16xi1>, vector<16xf32>
    %swap3A = arith.constant 0 : index
    %swap3A_2457 = tpu.vector_load %arg7[%swap3A] {strides = array<i32>} : memref<16xf32, #tpu.memory_space<vmem>>, vector<16xf32>,
    tpu.vector_store %arg7[%swap3A], %select_n3A_2456 {strides = array<i32>} : memref<16xf32, #tpu.memory_space<vmem>>, vector<16xf32>,
    "tpu.region"() ({
      %run_scoped3A = tpu.sem_alloc : memref<!tpu.dma_semaphore, #tpu.memory_space<semaphore_mem>>
      %dma_start3A_2458 = arith.constant 0 : i32
      %dma_start3A_2459 = tpu.memref_slice %arg4[%add3A, %dma_start3A_2458] : memref<32x16xf32, #tpu.memory_space<hbm>> -> memref<1x16xf32, #tpu.memory_space<hbm>>
      %dma_start3A_2460 = tpu.memref_squeeze %dma_start3A_2459 : memref<1x16xf32, #tpu.memory_space<hbm>> -> memref<16xf32, #tpu.memory_space<hbm>>
      %dma_start3A_2461 = arith.constant 0 : i32
      %dma_start3A_2462 = tpu.memref_slice %arg4[%add3A, %dma_start3A_2461] : memref<32x16xf32, #tpu.memory_space<hbm>> -> memref<1x16xf32, #tpu.memory_space<hbm>>
      %dma_start3A_2463 = tpu.memref_squeeze %dma_start3A_2462 : memref<1x16xf32, #tpu.memory_space<hbm>> -> memref<16xf32, #tpu.memory_space<hbm>>
      tpu.enqueue_dma source(%arg7 : memref<16xf32, #tpu.memory_space<vmem>>) target(%dma_start3A_2463 : memref<16xf32, #tpu.memory_space<hbm>>) target_semaphore(%run_scoped3A : memref<!tpu.dma_semaphore, #tpu.memory_space<semaphore_mem>>)
      %dma_wait3A_2464 = arith.constant 0 : i32
      %dma_wait3A_2465 = tpu.memref_slice %arg4[%add3A, %dma_wait3A_2464] : memref<32x16xf32, #tpu.memory_space<hbm>> -> memref<1x16xf32, #tpu.memory_space<hbm>>
      %dma_wait3A_2466 = tpu.memref_squeeze %dma_wait3A_2465 : memref<1x16xf32, #tpu.memory_space<hbm>> -> memref<16xf32, #tpu.memory_space<hbm>>
      %dma_wait3A_2467 = arith.constant 0 : i32
      %dma_wait3A_2468 = tpu.memref_slice %arg4[%add3A, %dma_wait3A_2467] : memref<32x16xf32, #tpu.memory_space<hbm>> -> memref<1x16xf32, #tpu.memory_space<hbm>>
      %dma_wait3A_2469 = tpu.memref_squeeze %dma_wait3A_2468 : memref<1x16xf32, #tpu.memory_space<hbm>> -> memref<16xf32, #tpu.memory_space<hbm>>
      tpu.wait_dma2 semaphore(%run_scoped3A : memref<!tpu.dma_semaphore, #tpu.memory_space<semaphore_mem>>) src(%arg7 : memref<16xf32, #tpu.memory_space<vmem>>) dst(%dma_wait3A_2469 : memref<16xf32, #tpu.memory_space<hbm>>)
      tpu.yield
    }) : () -> ()
    return
  }
}

</mosaic_0001>

<sc_bundles>
// kernel: _gather_targets.3.cloned.1.call-start
scs
__scs_entry_jumppad:
0x0: {  	(pc) =	sbr.rel $0x88, $3  }
0x1: {  	(tag) =	ssettag $0x0;
	lr =	simm.s32 $0x1  }
0x2: {  	[smem:$0x3F9F] =	sst lr;
	_ =	strace $0xD0000000  }
0x3: {  	_ = 	snop  }
0x4: {  	_ = 	snop  }
0x5: {  	_ = 	snop  }
0x6: {  	_ = 	snop  }
0x7: {  	_ = 	snop  }
__scs_overlays_trampoline_lowered:
0x8: {  	[smem:$0x3FAE] =	sst s0  }
0x9: {  	[smem:$0x3FAF] =	sst s1  }
0xa: {  	[smem:$0x3FB0] =	sst s2  }
0xb: {  	[smem:$0x3FB1] =	sst s3  }
0xc: {  	[smem:$0x3FB2] =	sst s4  }
0xd: {  	[smem:$0x3FB3] =	sst s5  }
0xe: {  	[smem:$0x3FB4] =	sst s6  }
0xf: {  	[smem:$0x3FB5] =	sst s7  }
0x10: {  	[smem:$0x3FB6] =	sst s8  }
0x11: {  	[smem:$0x3FB7] =	sst s9;
	s0 =	simm.s32 @!p0 $0x0  }
0x12: {  	s1 =	sld [smem:$0x3F9D];
	s0 =	simm.s32 @p0 $0x1  }
0x13: {  	[smem:$0x3FB8] =	sst s0;
	s0 =	simm.s32 @!p1 $0x0  }
0x14: {  	s2 =	sld [smem:$0x3F9C];
	s0 =	simm.s32 @p1 $0x1  }
0x15: {  	[smem:$0x3FB9] =	sst s0;
	s0 =	simm.s32 @!p2 $0x0  }
0x16: {  	s3 =	sld [smem:$0x3FDB];
	s0 =	simm.s32 @p2 $0x1  }
0x17: {  	s4 =	simm.s32 $0x1BF5;
	[smem:$0x3FBB] =	sst s0  }
0x18: {  	s0 =	sld [smem:$0x3F9E];
	_ =	swait.ge [sflag:s4], $0x0  }
0x19: {  	s7 =	sld [smem:$0x3F9F]  }
0x1a: {  	s8 =	sadd.s32 $0xFFFFE003, lr  }
0x1b: {  	s9 =	sadd.s32 $0xFFFFFEF7, lr;
	s5 =	simm.s32 $0xFFFFFFFF;
	p2 =	slt.u32 s8, $0xFFFFF086  }
0x1c: {  	p1 =	slt.u32 s9, $0xF7A;
	s5 =	simm.s32 @!p2 $0x0  }
0x1d: {  	s5 =	simm.s32 @p1 $0x1;
	p0 =	seq.s32 s7, s2  }
0x1e: {  	s7 =	smul.u32 @!p0 $0xF7A, s2;
	p2 =	seq.s32 @!p0 s5, $0x0  }
0x1f: {  	s9 =	smul.u32 $0xF7A, s1;
	s8 =	simm.s32 @!p0 $0x1BF5;
	p2 =	por !p2, p0  }
0x20: {  	[sflag:s8] =	ssyncset.s32 @!p0 $0xFFFFF086;
	s6 =	sadd.s32 @!p0 s3, s7;
	s7 =	simm.s32 @!p0 $0x108  }
0x21: {  	s3 =	sadd.s32 s3, s9;
	s6 =	sadd.s32 @!p0 $0x88, s6;
	s7 =	simm.s32 @p2 $0x1082  }
0x22: {  	[simem:s7], [sflag:s8] =	dma.local @!p0 [hbm:s6], $0xF7A  }
0x23: {  	s9 =	sor.u32 $0xD0000000, s2;
	s6 =	simm.s32 $0x108;
	_ =	swait.ge @!p0 [sflag:s8], $0x0  }
0x24: {  	s3 =	sadd.s32 $0x88, s3;
	s6 =	simm.s32 @!p1 $0x1082;
	[sflag:s4] =	ssyncset.s32 $0xFFFFF086  }
0x25: {  	[simem:s6], [sflag:s4] =	dma.local [hbm:s3], $0xF7A  }
0x26: {  	[smem:$0x3F9F] =	sst s1;
	(tag) =	ssettag s2;
	_ =	strace s9  }
0x27: {  	s1 =	sld [smem:$0x3FAF]  }
0x28: {  	s2 =	sld [smem:$0x3FB0]  }
0x29: {  	s4 =	sld [smem:$0x3FB2]  }
0x2a: {  	p0 =	seq.s32 s5, $0x0;
	s5 =	sld [smem:$0x3FB3]  }
0x2b: {  	s6 =	sld [smem:$0x3FB4]  }
0x2c: {  	s7 =	sld [smem:$0x3FB5]  }
0x2d: {  	s3 =	simm.s32 $0x108;
	s8 =	sld [smem:$0x3FB6]  }
0x2e: {  	s3 =	simm.s32 @!p0 $0x1082;
	s9 =	sld [smem:$0x3FB7]  }
0x2f: {  	lr =	sadd.s32 s0, s3;
	s0 =	sld [smem:$0x3FAE]  }
0x30: {  	s3 =	sld [smem:$0x3FB1]  }
0x31: {  	[smem:$0x3FBA] =	sst s10  }
0x32: {  	s10 =	sld [smem:$0x3FB8];
	_ =	sdelay $0x3  }
0x33: {  	p0 =	seq.s32 s10, $0x1;
	s10 =	sld [smem:$0x3FBA];
	_ =	sdelay $0x3  }
0x34: {  	[smem:$0x3FBA] =	sst s10  }
0x35: {  	s10 =	sld [smem:$0x3FB9];
	_ =	sdelay $0x3  }
0x36: {  	p1 =	seq.s32 s10, $0x1;
	s10 =	sld [smem:$0x3FBA];
	_ =	sdelay $0x3  }
0x37: {  	[smem:$0x3FBA] =	sst s10  }
0x38: {  	s10 =	sld [smem:$0x3FBB]  }
0x39: {  	_ = 	snop;
	(pc) =	sbr.ind lr, $3  }
0x3a: {  	_ = 	snop  }
0x3b: {  	_ = 	snop  }
0x3c: {  	p2 =	seq.s32 s10, $0x1;
	s10 =	sld [smem:$0x3FBA]  }
0x3d: {  	_ =	shalt  }
0x3e: {  	_ =	shalt  }
0x3f: {  	_ =	shalt  }
0x40: {  	_ =	shalt  }
0x41: {  	_ =	shalt  }
0x42: {  	_ =	shalt  }
0x43: {  	_ =	shalt  }
0x44: {  	_ =	shalt  }
0x45: {  	_ =	shalt  }
0x46: {  	_ =	shalt  }
0x47: {  	_ =	shalt  }
0x48: {  	_ =	shalt  }
0x49: {  	_ =	shalt  }
0x4a: {  	_ =	shalt  }
0x4b: {  	_ =	shalt  }
0x4c: {  	_ =	shalt  }
0x4d: {  	_ =	shalt  }
0x4e: {  	_ =	shalt  }
0x4f: {  	_ =	shalt  }
0x50: {  	_ =	shalt  }
0x51: {  	_ =	shalt  }
0x52: {  	_ =	shalt  }
0x53: {  	_ =	shalt  }
0x54: {  	_ =	shalt  }
0x55: {  	_ =	shalt  }
0x56: {  	_ =	shalt  }
0x57: {  	_ =	shalt  }
0x58: {  	_ =	shalt  }
0x59: {  	_ =	shalt  }
0x5a: {  	_ =	shalt  }
0x5b: {  	_ =	shalt  }
0x5c: {  	_ =	shalt  }
0x5d: {  	_ =	shalt  }
0x5e: {  	_ =	shalt  }
0x5f: {  	_ =	shalt  }
0x60: {  	_ =	shalt  }
0x61: {  	_ =	shalt  }
0x62: {  	_ =	shalt  }
0x63: {  	_ =	shalt  }
0x64: {  	_ =	shalt  }
0x65: {  	_ =	shalt  }
0x66: {  	_ =	shalt  }
0x67: {  	_ =	shalt  }
0x68: {  	_ =	shalt  }
0x69: {  	_ =	shalt  }
0x6a: {  	_ =	shalt  }
0x6b: {  	_ =	shalt  }
0x6c: {  	_ =	shalt  }
0x6d: {  	_ =	shalt  }
0x6e: {  	_ =	shalt  }
0x6f: {  	_ =	shalt  }
0x70: {  	_ =	shalt  }
0x71: {  	_ =	shalt  }
0x72: {  	_ =	shalt  }
0x73: {  	_ =	shalt  }
0x74: {  	_ =	shalt  }
0x75: {  	_ =	shalt  }
0x76: {  	_ =	shalt  }
0x77: {  	_ =	shalt  }
0x78: {  	_ =	shalt  }
0x79: {  	_ =	shalt  }
0x7a: {  	_ =	shalt  }
0x7b: {  	_ =	shalt  }
0x7c: {  	_ =	shalt  }
0x7d: {  	_ =	shalt  }
0x7e: {  	_ =	shalt  }
0x7f: {  	_ =	shalt  }
0x80: {  	_ =	shalt  }
0x81: {  	_ =	shalt  }
0x82: {  	_ =	shalt  }
0x83: {  	_ =	shalt  }
0x84: {  	_ =	shalt  }
0x85: {  	_ =	shalt  }
0x86: {  	_ =	shalt  }
0x87: {  	_ =	shalt  }
.Lfunc_end0:
.L_simem_size_0:
called_computation_lowered:
.L_overlay_start_0:
0x88: {  	s2 =	sld [smem:$0x3FD9]  }
0x89: {  	s3 =	sld [smem:$0x3FFE];
	_ =	sdelay $0x1  }
0x8a: {  	s1 =	srdreg.scid  }
0x8b: {  	s0 =	sand.u32 $0x1, s1  }
0x8c: {  	s17 =	sshll.u32 s0, $0xA;
	s2 =	sadd.s32 s3, s2  }
0x8d: {  	s2 =	sadd.s32 s2, s17  }
0x8e: {  	[smem:$0x3FC6] =	sst s2  }
0x8f: {  	_ = 	snop  }
0x90: {  	s2 =	sld [smem:$0x3FC9]  }
0x91: {  	s18 =	sld [smem:$0x3FC8];
	(tm) =	ssettm $0x1  }
0x92: {  	s4 =	sld [smem:$0x3FFB];
	_ =	sdelay $0x3  }
0x93: {  	_ =	strace s4  }
0x94: {  	s4 =	sld [smem:$0x3FFC];
	_ =	sdelay $0x3  }
0x95: {  	_ =	strace s4  }
0x96: {  	s4 =	sld [smem:$0x3FFD];
	_ =	sdelay $0x3  }
0x97: {  	_ =	strace s4  }
0x98: {  	_ =	strace $0x8FFFFFFF  }
0x99: {  	s19 =	sld [smem:$0x3FDB];
	_ =	sdelay $0x1  }
0x9a: {  	s5 =	simm.s32 $_scs_section_size  }
0x9b: {  	s6 =	simm.s32 $_size__tile_overlayer_lowered;
	s7 =	simm.s32 $_tile_overlayer_lowered  }
0x9c: {  	s22 =	simm.s32 $0x1BFF;
	s21 =	sshll.u32 s7, $0x1;
	s4 =	sadd.s32 s5, s19  }
0x9d: {  	s8 =	simm.s32 $0x0;
	s20 =	sshll.u32 s6, $0x1;
	s6 =	sadd.s32 s21, s4  }
0x9e: {  	[timem:s8], [sflag:s22] =	dma.local [hbm:s6], s20  }
0x9f: {  	_ =	swait.ge [sflag:s22], s20  }
0xa0: {  	s5 =	ssub.s32 $0x0, s20;
	[sflag:s22] =	ssyncset.done $0x0  }
0xa1: {  	[sflag:s22] =	ssyncadd.s32 s5;
	_ =	sdelay $0x1  }
0xa2: {  	s23 =	simm.s32 $0x1B8B  }
0xa3: {  	_ =	swait.ge [sflag:s23], $0x1  }
0xa4: {  	[sflag:s23] =	ssyncset.done $0x0  }
0xa5: {  	s25 =	simm.s32 $0x1B8E;
	s24 =	sld [smem:$0x3FFE];
	[sflag:s23] =	ssyncadd.s32 $0xFFFFFFFF  }
0xa6: {  	s26 =	simm.s32 $execute0_lowered;
	[smem:$0x3FD2] =	sst s25  }
0xa7: {  	s6 =	sshll.u32 s26, $0x1;
	_ =	strace $0x80000046;
	[dreg:$0x1] =	wrdreg $0xFFFFFFFF  }
0xa8: {  	s28 =	simm.s32 $_size_execute0_lowered;
	s4 =	sadd.s32 s4, s6;
	[dreg:$0x0] =	wrdreg $0x0  }
0xa9: {  	s6 =	sshll.u32 s28, $0x1;
	[dreg:$0x2] =	wrdreg s4  }
0xaa: {  	[dreg:$0x3] =	wrdreg s6  }
0xab: {  	[dreg:$0x4] =	wrdreg $0xC0  }
0xac: {  	_ =	task [dreg:s8], $0x5FFFF  }
0xad: {  	[dreg:$0x1] =	wrdreg $0xFFFFFFFF  }
0xae: {  	[dreg:$0x0] =	wrdreg $0x60  }
0xaf: {  	[dreg:$0x2] =	wrdreg s2  }
0xb0: {  	[dreg:$0x3] =	wrdreg s18  }
0xb1: {  	[dreg:$0x4] =	wrdreg s24  }
0xb2: {  	[dreg:$0x5] =	wrdreg $0x9  }
0xb3: {  	_ =	task.clear_ibuf [dreg:s8], $0x6FFFF;
	_ =	strace $0x90000046  }
0xb4: {  	s29 =	simm.s32 $0x9;
	_ =	strace $0x80000048  }
0xb5: {  	_ =	swait.ge [sflag:s29], $0x1  }
0xb6: {  	[sflag:s29] =	ssyncadd.s32 $0xFFFFFFFF  }
0xb7: {  	_ =	strace $0x90000048  }
0xb8: {  	_ =	sfence  }
0xb9: {  	s30 =	sld [smem:$0x0];
	_ =	sdelay $0x2  }
0xba: {  	s31 =	sshll.u32 s1, $0xD;
	s1 =	sshrl.u32 s1, $0x2  }
0xbb: {  	s3 =	sand.u32 $0x4000, s31;
	s1 =	sadd.s32 s1, s30  }
0xbc: {  	s0 =	sor.u32 s3, s0;
	s1 =	sshll.u32 s1, $0x11  }
0xbd: {  	s0 =	sor.u32 s1, s0  }
0xbe: {  	s0 =	sadd.s32 $0x8F2B, s0  }
0xbf: {  	[sflag:s0] =	ssyncadd.remote.s32 $0x1  }
0xc0: {  	_ =	sfence.sel $0xFFFF  }
0xc1: {  	[dreg:$0x0] =	wrdreg $0xFFFFFFFF;
	(pc) =	sbr.abs _section_cstart, $3  }
0xc2: {  	[dreg:$0x1] =	wrdreg $0xFFFFFFFF  }
0xc3: {  	_ =	task.clear_ibuf [dreg:s8], $0x2FFFF;
	_ =	strace $0x9FFFFFFF  }
0xc4: {  	(tm) =	ssettm $0x7FFFFFFF  }
0xc5: {  	_ =	shalt  }
tec
execute0_lowered:
.L_overlay_start_1:
0x0: {  	(tag) =	ssettag $0x1  }
0x1: {  	s0 =	rddreg [dreg:$0x1]  }
0x2: {  	s21 =	rddreg [dreg:$0x2];
	s1 =	srdreg.scid  }
0x3: {  	s2 =	stileid.u32;
	s3 =	simm.s32 $0x0;
	s25 =	simm.s32 $0x80  }
0x4: {  	s28 =	simm.s32 $0x480;
	s29 =	simm.s32 $0x880;
	s30 =	simm.s32 $0xC80  }
0x5: {  	s31 =	simm.s32 $0x1080;
	s18 =	simm.s32 $0x1;
	[dreg:$0x4] =	wrdreg s0  }
0x6: {  	s1 =	sand.u32 $0x1, s1;
	s2 =	sshll.u32 s2, $0x1;
	[smem:$0x7FF] =	sst s3  }
0x7: {  	s2 =	sor.u32 s1, s2;
	_ =	strace $0x80000047;
	[dreg:$0x5] =	wrdreg s25  }
0x8: {  	[dreg:$0x6] =	wrdreg s28;
	s22 =	sshll.u32 s2, $0x4;
	s2 =	sshll.u32 s2, $0x2  }
0x9: {  	v3 =	vlaneseq.u32;
	s1 =	ssub.s32 $0x2, s1;
	[dreg:$0x7] =	wrdreg s29;
	s24 =	sand.u32 $0xC, s2  }
0xa: {  	vm4 =	vcmask $0x300;
	vm5 =	vcmask $0x704;
	vm6 =	vcmask $0xB08;
	[dreg:$0x8] =	wrdreg s30;
	s23 =	sshrl.u32 s1, $0x1;
	s4 =	sor.u32 $0x2, s24  }
0xb: {  	vm7 =	vcmask $0xF0C;
	s0 =	sadd.s32 s22, s21;
	s26 =	sor.u32 $0x3, s24;
	v1 =	vmov s24;
	s3 =	sor.u32 $0x1, s24;
	v0 =	vmov s4  }
0xc: {  	[dreg:$0xa] =	wrdreg s31;
	s1 =	ssub.s32 s1, s23;
	s0 =	sadd.s32 $0x400, s0;
	v2 =	vmov s26;
	v4 =	vmov s3;
	vm3 =	veq.s32 v1, v3  }
0xd: {  	s5 =	smax.u32 s1, $0x1;
	[dreg:$0x9] =	wrdreg s0;
	s4 =	sand.u32 $0x70, s2;
	vm0 =	veq.s32 v2, v3;
	vm1 =	veq.s32 v0, v3;
	vm2 =	veq.s32 v4, v3  }
.LBB2_1:
0xe: {  	s0 =	rddreg [dreg:$0x4];
	s1 =	simm.s32 $0x0;
	s19 =	simm.s32 $0x2  }
0xf: {  	[tilespmem:s1], [sflag:$0x2] =	stream.linear.gather [hbm4b:s0+s1], $0x80, $0x38;
	[tilespmem:$0x1100] =	vst v63  }
0x10: {  	_ =	swait.ge [sflag:s19], $0x80  }
0x11: {  	[sflag:s19] =	ssyncset.done $0x0  }
0x12: {  	[sflag:s19] =	ssyncadd.s32 $0xFFFFFF80  }
0x13: {  	v0 =	vld [tilespmem:s4+$0x0];
	_ =	sdelay $0x4  }
0x14: {  	v0 =	vxor.u32 $0x80000000, v0  }
0x15: {  	v1 =	vnsel vm3, $0x80000000, v0  }
0x16: {  	(xrf0) =	vmax.scan.msk.u32 $0xffff, v1;
	_ =	sdelay $0x5  }
0x17: {  	v1, _, _ =	vpop (xrf0)  }
0x18: {  	(v2sf) =	vpush v1, $0xF  }
0x19: {  	v32 =	vnsel vm2, $0x80000000, v0  }
0x1a: {  	(xrf0) =	vmax.scan.msk.u32 $0xffff, v32;
	_ =	sdelay $0x5  }
0x1b: {  	v1, _, _ =	vpop (xrf0)  }
0x1c: {  	(v2sf) =	vpush v1, $0xF;
	_ =	sdelay $0x1  }
0x1d: {  	v33 =	vnsel vm1, $0x80000000, v0  }
0x1e: {  	(xrf0) =	vmax.scan.msk.u32 $0xffff, v33;
	_ =	sdelay $0x2  }
0x1f: {  	s20 =	spop (v2sf)  }
0x20: {  	s11 =	sxor.u32 $0x80000000, s20  }
0x21: {  	p1 =	sgt.s32 s20, $0xFFFFFFFF;
	s0 =	sand.u32 $0x7, s20;
	p0 =	slt.s32 s11, $0x1  }
0x22: {  	v1, _, _ =	vpop (xrf0);
	s21 =	sshra.s32 s11, $0x1F;
	p3 =	sne.s32 s0, $0x0;
	p0 =	por p1, p0  }
0x23: {  	(v2sf) =	vpush v1, $0xF;
	s22 =	sshrl.u32 s21, $0x1D;
	p0 =	por !p3, !p0  }
0x24: {  	s1 =	simm.s32 $0x1;
	s0 =	sadd.s32 s22, s11;
	p0 =	por !p0, !p0  }
0x25: {  	v0 =	vnsel vm0, $0x80000000, v0;
	s0 =	sshra.s32 s0, $0x3;
	s1 =	simm.s32 @!p0 $0x0  }
0x26: {  	(xrf0) =	vmax.scan.msk.u32 $0xffff, v0;
	s15 =	ssub.s32 s0, s1  }
0x27: {  	s3 =	simm.s32 $0x0;
	s0 =	sshll.u32 s15, $0x7  }
0x28: {  	s2 =	rddreg [dreg:$0x0];
	s24 =	spop (v2sf);
	s0 =	sand.u32 $0x1FFFFF80, s0  }
0x29: {  	s23 =	rddreg [dreg:$0x5];
	s10 =	sxor.u32 $0x80000000, s24;
	s0 =	sadd.s32 s2, s0  }
0x2a: {  	[tilespmem:s23], [sflag:$0x1] =	stream.linear.gather [hbm4b:s0+s3], $0x400, $0x38;
	[tilespmem:$0x1100] =	vst v63  }
0x2b: {  	p5 =	sgt.s32 s24, $0xFFFFFFFF;
	p4 =	slt.s32 s10, $0x1;
	s0 =	sand.u32 $0x7, s24  }
0x2c: {  	v0, _, _ =	vpop (xrf0);
	s25 =	sshra.s32 s10, $0x1F;
	p0 =	por p5, p4;
	p6 =	sne.s32 s0, $0x0  }
0x2d: {  	(v2sf) =	vpush v0, $0xF;
	s26 =	sshrl.u32 s25, $0x1D;
	p0 =	por !p6, !p0  }
0x2e: {  	s1 =	simm.s32 $0x1;
	s0 =	sadd.s32 s26, s10;
	p0 =	por !p0, !p0  }
0x2f: {  	s0 =	sshra.s32 s0, $0x3;
	s1 =	simm.s32 @!p0 $0x0  }
0x30: {  	s14 =	ssub.s32 s0, s1  }
0x31: {  	s0 =	sshll.u32 s14, $0x7  }
0x32: {  	s30 =	spop (v2sf);
	s0 =	sand.u32 $0x1FFFFF80, s0  }
0x33: {  	s28 =	rddreg [dreg:$0x6];
	s9 =	sxor.u32 $0x80000000, s30;
	s0 =	sadd.s32 s2, s0  }
0x34: {  	[tilespmem:s28], [sflag:$0x1] =	stream.linear.gather [hbm4b:s0+s3], $0x400, $0x38;
	[tilespmem:$0x1100] =	vst v63  }
0x35: {  	p2 =	sgt.s32 s30, $0xFFFFFFFF;
	p1 =	slt.s32 s9, $0x1;
	s0 =	sand.u32 $0x7, s30  }
0x36: {  	s31 =	sshra.s32 s9, $0x1F;
	p0 =	por p2, p1;
	p3 =	sne.s32 s0, $0x0  }
0x37: {  	s1 =	sshrl.u32 s31, $0x1D;
	p0 =	por !p3, !p0  }
0x38: {  	s0 =	sadd.s32 s1, s9;
	s1 =	simm.s32 $0x1;
	p0 =	por !p0, !p0  }
0x39: {  	s0 =	sshra.s32 s0, $0x3;
	s1 =	simm.s32 @!p0 $0x0  }
0x3a: {  	s0 =	ssub.s32 s0, s1  }
0x3b: {  	[dreg:$0xb] =	wrdreg s0;
	s0 =	sshll.u32 s0, $0x7  }
0x3c: {  	s29 =	simm.s32 $0x0;
	s12 =	spop (v2sf);
	s0 =	sand.u32 $0x1FFFFF80, s0  }
0x3d: {  	s6 =	rddreg [dreg:$0x7];
	s8 =	sxor.u32 $0x80000000, s12;
	s0 =	sadd.s32 s2, s0  }
0x3e: {  	[tilespmem:s6], [sflag:$0x1] =	stream.linear.gather [hbm4b:s0+s29], $0x400, $0x38;
	[tilespmem:$0x1100] =	vst v63  }
0x3f: {  	p4 =	sgt.s32 s12, $0xFFFFFFFF;
	p5 =	slt.s32 s8, $0x1;
	s0 =	sand.u32 $0x7, s12  }
0x40: {  	s13 =	sshra.s32 s8, $0x1F;
	p0 =	por p4, p5;
	p6 =	sne.s32 s0, $0x0  }
0x41: {  	s16 =	sshrl.u32 s13, $0x1D;
	p0 =	por !p6, !p0  }
0x42: {  	s1 =	simm.s32 $0x1;
	s0 =	sadd.s32 s16, s8;
	p0 =	por !p0, !p0  }
0x43: {  	s0 =	sshra.s32 s0, $0x3;
	s1 =	simm.s32 @!p0 $0x0  }
0x44: {  	s0 =	ssub.s32 s0, s1  }
0x45: {  	[dreg:$0xc] =	wrdreg s0;
	s0 =	sshll.u32 s0, $0x7  }
0x46: {  	s0 =	sand.u32 $0x1FFFFF80, s0  }
0x47: {  	s7 =	simm.s32 $0x0;
	s17 =	rddreg [dreg:$0x8];
	s0 =	sadd.s32 s2, s0  }
0x48: {  	[tilespmem:s17], [sflag:$0x1] =	stream.linear.gather [hbm4b:s0+s7], $0x400, $0x38;
	[tilespmem:$0x1100] =	vst v63  }
0x49: {  	_ =	swait.ge [sflag:s18], $0x400  }
0x4a: {  	[sflag:s18] =	ssyncset.done $0x0  }
0x4b: {  	[sflag:s18] =	ssyncadd.s32 $0xFFFFFC00  }
0x4c: {  	v34 =	vld [tilespmem:s4+$0x80]  }
0x4d: {  	v35 =	vld [tilespmem:s4+$0x100]  }
0x4e: {  	v2 =	vld [tilespmem:s4+$0x180]  }
0x4f: {  	v3 =	vld [tilespmem:s4+$0x200]  }
0x50: {  	v4 =	vld [tilespmem:s4+$0x280]  }
0x51: {  	v5 =	vld [tilespmem:s4+$0x300];
	v0 =	vnsel vm3, $0xFF61B1E6, v34  }
0x52: {  	v37 =	vld [tilespmem:s4+$0x380];
	v36 =	vnsel vm3, $0xFF61B1E6, v35;
	(xrf0) =	vmax.scan.msk.f32 $0xffff, v0  }
0x53: {  	v39 =	vld [tilespmem:s4+$0x400];
	v38 =	vnsel vm3, $0xFF61B1E6, v2;
	(xrf0) =	vmax.scan.msk.f32 $0xffff, v36  }
0x54: {  	v40 =	vnsel vm3, $0xFF61B1E6, v3;
	(xrf0) =	vmax.scan.msk.f32 $0xffff, v38  }
0x55: {  	v41 =	vnsel vm3, $0xFF61B1E6, v4;
	(xrf0) =	vmax.scan.msk.f32 $0xffff, v40  }
0x56: {  	v42 =	vnsel vm3, $0xFF61B1E6, v5;
	(xrf0) =	vmax.scan.msk.f32 $0xffff, v41  }
0x57: {  	v43 =	vnsel vm3, $0xFF61B1E6, v37;
	(xrf0) =	vmax.scan.msk.f32 $0xffff, v42  }
0x58: {  	v45 =	vnsel vm3, $0xFF61B1E6, v39;
	v44, _, _ =	vpop (xrf0);
	(xrf0) =	vmax.scan.msk.f32 $0xffff, v43  }
0x59: {  	(v2sf) =	vpush v44, $0xF;
	v46, _, _ =	vpop (xrf0);
	(xrf0) =	vmax.scan.msk.f32 $0xffff, v45  }
0x5a: {  	(v2sf) =	vpush v46, $0xF;
	v47, _, _ =	vpop (xrf0)  }
0x5b: {  	(v2sf) =	vpush v47, $0xF;
	v48, _, _ =	vpop (xrf0)  }
0x5c: {  	(v2sf) =	vpush v48, $0xF;
	v49, _, _ =	vpop (xrf0)  }
0x5d: {  	(v2sf) =	vpush v49, $0xF;
	v50, _, _ =	vpop (xrf0)  }
0x5e: {  	(v2sf) =	vpush v50, $0xF;
	v51, _, _ =	vpop (xrf0)  }
0x5f: {  	(v2sf) =	vpush v51, $0xF;
	v52, _, _ =	vpop (xrf0)  }
0x60: {  	(v2sf) =	vpush v52, $0xF;
	_ =	sdelay $0x7  }
0x61: {  	s16 =	spop (v2sf)  }
0x62: {  	s25 =	spop (v2sf)  }
0x63: {  	s24 =	spop (v2sf)  }
0x64: {  	s22 =	spop (v2sf)  }
0x65: {  	s21 =	spop (v2sf)  }
0x66: {  	s20 =	spop (v2sf)  }
0x67: {  	s19 =	spop (v2sf)  }
0x68: {  	[dreg:$0xe] =	wrdreg s19;
	s23 =	spop (v2sf)  }
0x69: {  	[dreg:$0xd] =	wrdreg s23  }
0x6a: {  	_ =	swait.ge [sflag:s18], $0x400  }
0x6b: {  	[sflag:s18] =	ssyncset.done $0x0  }
0x6c: {  	[sflag:s18] =	ssyncadd.s32 $0xFFFFFC00  }
0x6d: {  	v53 =	vld [tilespmem:s4+$0x480]  }
0x6e: {  	v54 =	vld [tilespmem:s4+$0x500]  }
0x6f: {  	v55 =	vld [tilespmem:s4+$0x580]  }
0x70: {  	v56 =	vld [tilespmem:s4+$0x600]  }
0x71: {  	v57 =	vld [tilespmem:s4+$0x680]  }
0x72: {  	v58 =	vld [tilespmem:s4+$0x700];
	v0 =	vnsel vm2, $0xFF61B1E6, v53  }
0x73: {  	v60 =	vld [tilespmem:s4+$0x780];
	v59 =	vnsel vm2, $0xFF61B1E6, v54;
	(xrf0) =	vmax.scan.msk.f32 $0xffff, v0  }
0x74: {  	v62 =	vld [tilespmem:s4+$0x800];
	v61 =	vnsel vm2, $0xFF61B1E6, v55;
	(xrf0) =	vmax.scan.msk.f32 $0xffff, v59  }
0x75: {  	v63 =	vnsel vm2, $0xFF61B1E6, v56;
	(xrf0) =	vmax.scan.msk.f32 $0xffff, v61  }
0x76: {  	v4 =	vnsel vm2, $0xFF61B1E6, v57;
	(xrf0) =	vmax.scan.msk.f32 $0xffff, v63  }
0x77: {  	v6 =	vnsel vm2, $0xFF61B1E6, v58;
	(xrf0) =	vmax.scan.msk.f32 $0xffff, v4  }
0x78: {  	v7 =	vnsel vm2, $0xFF61B1E6, v60;
	(xrf0) =	vmax.scan.msk.f32 $0xffff, v6  }
0x79: {  	v9 =	vnsel vm2, $0xFF61B1E6, v62;
	v8, _, _ =	vpop (xrf0);
	(xrf0) =	vmax.scan.msk.f32 $0xffff, v7  }
0x7a: {  	(v2sf) =	vpush v8, $0xF;
	v10, _, _ =	vpop (xrf0);
	(xrf0) =	vmax.scan.msk.f32 $0xffff, v9  }
0x7b: {  	(v2sf) =	vpush v10, $0xF;
	v11, _, _ =	vpop (xrf0)  }
0x7c: {  	(v2sf) =	vpush v11, $0xF;
	v12, _, _ =	vpop (xrf0)  }
0x7d: {  	(v2sf) =	vpush v12, $0xF;
	v13, _, _ =	vpop (xrf0)  }
0x7e: {  	(v2sf) =	vpush v13, $0xF;
	v14, _, _ =	vpop (xrf0)  }
0x7f: {  	(v2sf) =	vpush v14, $0xF;
	v15, _, _ =	vpop (xrf0)  }
0x80: {  	(v2sf) =	vpush v15, $0xF;
	v16, _, _ =	vpop (xrf0)  }
0x81: {  	(v2sf) =	vpush v16, $0xF;
	_ =	sdelay $0x7  }
0x82: {  	s17 =	spop (v2sf)  }
0x83: {  	s1 =	spop (v2sf)  }
0x84: {  	s2 =	spop (v2sf)  }
0x85: {  	s31 =	spop (v2sf)  }
0x86: {  	s30 =	spop (v2sf)  }
0x87: {  	s29 =	spop (v2sf)  }
0x88: {  	s26 =	spop (v2sf)  }
0x89: {  	s23 =	spop (v2sf)  }
0x8a: {  	_ =	swait.ge [sflag:s18], $0x400  }
0x8b: {  	[sflag:s18] =	ssyncset.done $0x0  }
0x8c: {  	[sflag:s18] =	ssyncadd.s32 $0xFFFFFC00  }
0x8d: {  	v17 =	vld [tilespmem:s4+$0x880]  }
0x8e: {  	v18 =	vld [tilespmem:s4+$0x900]  }
0x8f: {  	v19 =	vld [tilespmem:s4+$0x980]  }
0x90: {  	v20 =	vld [tilespmem:s4+$0xA00]  }
0x91: {  	v21 =	vld [tilespmem:s4+$0xA80]  }
0x92: {  	v22 =	vld [tilespmem:s4+$0xB00];
	v0 =	vnsel vm1, $0xFF61B1E6, v17  }
0x93: {  	v24 =	vld [tilespmem:s4+$0xB80];
	v23 =	vnsel vm1, $0xFF61B1E6, v18;
	(xrf0) =	vmax.scan.msk.f32 $0xffff, v0  }
0x94: {  	v26 =	vld [tilespmem:s4+$0xC00];
	v25 =	vnsel vm1, $0xFF61B1E6, v19;
	(xrf0) =	vmax.scan.msk.f32 $0xffff, v23  }
0x95: {  	v27 =	vnsel vm1, $0xFF61B1E6, v20;
	(xrf0) =	vmax.scan.msk.f32 $0xffff, v25  }
0x96: {  	v28 =	vnsel vm1, $0xFF61B1E6, v21;
	(xrf0) =	vmax.scan.msk.f32 $0xffff, v27  }
0x97: {  	v29 =	vnsel vm1, $0xFF61B1E6, v22;
	(xrf0) =	vmax.scan.msk.f32 $0xffff, v28  }
0x98: {  	v30 =	vnsel vm1, $0xFF61B1E6, v24;
	(xrf0) =	vmax.scan.msk.f32 $0xffff, v29  }
0x99: {  	v32 =	vnsel vm1, $0xFF61B1E6, v26;
	v31, _, _ =	vpop (xrf0);
	(xrf0) =	vmax.scan.msk.f32 $0xffff, v30  }
0x9a: {  	(v2sf) =	vpush v31, $0xF;
	v33, _, _ =	vpop (xrf0);
	(xrf0) =	vmax.scan.msk.f32 $0xffff, v32  }
0x9b: {  	v34, _, _ =	vpop (xrf0);
	(v2sf) =	vpush v33, $0xF  }
0x9c: {  	(v2sf) =	vpush v34, $0xF;
	v35, _, _ =	vpop (xrf0)  }
0x9d: {  	(v2sf) =	vpush v35, $0xF;
	v36, _, _ =	vpop (xrf0)  }
0x9e: {  	(v2sf) =	vpush v36, $0xF;
	v37, _, _ =	vpop (xrf0)  }
0x9f: {  	(v2sf) =	vpush v37, $0xF;
	v38, _, _ =	vpop (xrf0)  }
0xa0: {  	(v2sf) =	vpush v38, $0xF;
	v39, _, _ =	vpop (xrf0)  }
0xa1: {  	(v2sf) =	vpush v39, $0xF;
	_ =	sdelay $0x7  }
0xa2: {  	s28 =	spop (v2sf)  }
0xa3: {  	s13 =	spop (v2sf)  }
0xa4: {  	s19 =	spop (v2sf)  }
0xa5: {  	s7 =	spop (v2sf)  }
0xa6: {  	s0 =	spop (v2sf)  }
0xa7: {  	s6 =	spop (v2sf)  }
0xa8: {  	s3 =	spop (v2sf)  }
0xa9: {  	s12 =	spop (v2sf)  }
0xaa: {  	_ =	swait.ge [sflag:s18], $0x400  }
0xab: {  	[sflag:s18] =	ssyncset.done $0x0  }
0xac: {  	[sflag:s18] =	ssyncadd.s32 $0xFFFFFC00  }
0xad: {  	v40 =	vld [tilespmem:s4+$0xC80]  }
0xae: {  	v41 =	vld [tilespmem:s4+$0xD00]  }
0xaf: {  	v42 =	vld [tilespmem:s4+$0xD80];
	_ =	sdelay $0x1  }
0xb0: {  	v43 =	vld [tilespmem:s4+$0xE00]  }
0xb1: {  	v44 =	vld [tilespmem:s4+$0xE80];
	v0 =	vnsel vm0, $0xFF61B1E6, v40  }
0xb2: {  	v46 =	vld [tilespmem:s4+$0xF00];
	v45 =	vnsel vm0, $0xFF61B1E6, v41;
	(xrf0) =	vmax.scan.msk.f32 $0xffff, v0  }
0xb3: {  	s15 =	sshll.u32 s15, $0x3;
	v48 =	vld [tilespmem:s4+$0xF80];
	v47 =	vnsel vm0, $0xFF61B1E6, v42;
	(xrf0) =	vmax.scan.msk.f32 $0xffff, v45  }
0xb4: {  	p0 =	seq.s32 s11, s15;
	s11 =	ssub.s32 s11, s15;
	v51 =	vld [tilespmem:s4+$0x1000];
	(xrf0) =	vmax.scan.msk.f32 $0xffff, v47  }
0xb5: {  	s16 =	simm.s32 @!p0 $0xFF61B1E6;
	p0 =	seq.s32 s11, $0x1;
	v49 =	vnsel vm0, $0xFF61B1E6, v43  }
0xb6: {  	s16 =	smov.u32 @p0 s25;
	p0 =	seq.s32 s11, $0x2;
	v50 =	vnsel vm0, $0xFF61B1E6, v44;
	(xrf0) =	vmax.scan.msk.f32 $0xffff, v49  }
0xb7: {  	s16 =	smov.u32 @p0 s24;
	p0 =	seq.s32 s11, $0x3;
	v52 =	vnsel vm0, $0xFF61B1E6, v46;
	(xrf0) =	vmax.scan.msk.f32 $0xffff, v50  }
0xb8: {  	s16 =	smov.u32 @p0 s22;
	p0 =	seq.s32 s11, $0x4;
	v54 =	vnsel vm0, $0xFF61B1E6, v48;
	v53, _, _ =	vpop (xrf0);
	(xrf0) =	vmax.scan.msk.f32 $0xffff, v52  }
0xb9: {  	s14 =	sshll.u32 s14, $0x3;
	p1 =	seq.s32 s11, $0x5;
	s16 =	smov.u32 @p0 s21;
	v57 =	vnsel vm0, $0xFF61B1E6, v51;
	v55, _, _ =	vpop (xrf0);
	(xrf0) =	vmax.scan.msk.f32 $0xffff, v54  }
0xba: {  	p0 =	seq.s32 s10, s14;
	s10 =	ssub.s32 s10, s14;
	s16 =	smov.u32 @p1 s20;
	(v2sf) =	vpush v53, $0xF;
	v56, _, _ =	vpop (xrf0);
	(xrf0) =	vmax.scan.msk.f32 $0xffff, v57  }
0xbb: {  	p1 =	seq.s32 s10, $0x2;
	s17 =	simm.s32 @!p0 $0xFF61B1E6;
	p0 =	seq.s32 s10, $0x1;
	(v2sf) =	vpush v55, $0xF  }
0xbc: {  	s17 =	smov.u32 @p0 s1;
	p0 =	seq.s32 s11, $0x6;
	s1 =	rddreg [dreg:$0xe];
	(v2sf) =	vpush v56, $0xF;
	v58, _, _ =	vpop (xrf0)  }
0xbd: {  	s17 =	smov.u32 @p1 s2;
	p1 =	seq.s32 s11, $0x7;
	s24 =	rddreg [dreg:$0xb];
	v59, _, _ =	vpop (xrf0);
	(v2sf) =	vpush v58, $0xF  }
0xbe: {  	s25 =	rddreg [dreg:$0xc];
	s16 =	smov.u32 @p0 s1;
	p0 =	seq.s32 s10, $0x3;
	(v2sf) =	vpush v59, $0xF;
	v60, _, _ =	vpop (xrf0)  }
0xbf: {  	s1 =	rddreg [dreg:$0xd];
	s17 =	smov.u32 @p0 s31;
	p0 =	seq.s32 s10, $0x4;
	v61, _, _ =	vpop (xrf0);
	(v2sf) =	vpush v60, $0xF  }
0xc0: {  	s16 =	smov.u32 @p1 s1;
	s1 =	sshll.u32 s24, $0x3;
	p1 =	seq.s32 s10, $0x5;
	(v2sf) =	vpush v61, $0xF;
	v62, _, _ =	vpop (xrf0)  }
0xc1: {  	s17 =	smov.u32 @p0 s30;
	p0 =	seq.s32 s9, s1;
	s1 =	ssub.s32 s9, s1;
	(v2sf) =	vpush v62, $0xF  }
0xc2: {  	s17 =	smov.u32 @p1 s29;
	s28 =	simm.s32 @!p0 $0xFF61B1E6;
	p0 =	seq.s32 s1, $0x1  }
0xc3: {  	p1 =	seq.s32 s1, $0x2;
	s28 =	smov.u32 @p0 s13;
	p0 =	seq.s32 s10, $0x6  }
0xc4: {  	s17 =	smov.u32 @p0 s26;
	s28 =	smov.u32 @p1 s19;
	p0 =	seq.s32 s1, $0x3  }
0xc5: {  	s2 =	sshll.u32 s25, $0x3;
	s28 =	smov.u32 @p0 s7;
	p0 =	seq.s32 s1, $0x4  }
0xc6: {  	p1 =	seq.s32 s10, $0x7;
	s28 =	smov.u32 @p0 s0;
	p0 =	seq.s32 s1, $0x5  }
0xc7: {  	s17 =	smov.u32 @p1 s23;
	p1 =	seq.s32 s1, $0x6;
	s28 =	smov.u32 @p0 s6  }
0xc8: {  	p0 =	seq.s32 s8, s2;
	s28 =	smov.u32 @p1 s3;
	p1 =	seq.s32 s1, $0x7  }
0xc9: {  	s2 =	ssub.s32 s8, s2;
	s28 =	smov.u32 @p1 s12;
	s0 =	spop (v2sf)  }
0xca: {  	s6 =	spop (v2sf);
	s0 =	simm.s32 @!p0 $0xFF61B1E6;
	p0 =	seq.s32 s2, $0x1  }
0xcb: {  	s7 =	spop (v2sf);
	s0 =	smov.u32 @p0 s6;
	p0 =	seq.s32 s2, $0x2  }
0xcc: {  	s3 =	spop (v2sf);
	s0 =	smov.u32 @p0 s7;
	p0 =	seq.s32 s2, $0x3  }
0xcd: {  	s6 =	spop (v2sf);
	s0 =	smov.u32 @p0 s3;
	p0 =	seq.s32 s2, $0x4  }
0xce: {  	v63 =	vmov s16;
	s0 =	smov.u32 @p0 s6;
	p0 =	seq.s32 s2, $0x5;
	s7 =	spop (v2sf)  }
0xcf: {  	v0 =	vnsel vm4, $0x0, v63;
	s3 =	spop (v2sf);
	s0 =	smov.u32 @p0 s7;
	p0 =	seq.s32 s2, $0x6  }
0xd0: {  	v0 =	vsel vm5, s17, v0;
	s0 =	smov.u32 @p0 s3;
	s1 =	spop (v2sf);
	p0 =	seq.s32 s2, $0x7  }
0xd1: {  	v0 =	vsel vm6, s28, v0;
	s0 =	smov.u32 @p0 s1  }
0xd2: {  	s30 =	simm.s32 $0x2;
	s26 =	rddreg [dreg:$0x9];
	p0 =	sne.s32 s5, $0x1;
	v0 =	vsel vm7, s0, v0  }
.Ltmp0:
0xd3: {  	s29 =	simm.s32 $0x0;
	s28 =	rddreg [dreg:$0xa];
	[tilespmem:$0x1080] =	vst v0;
	(pc) =	sbr.rel @p0 .LBB2_1-.Ltmp0, $4  }
0xd4: {  	[hbm4b:s26+s29] =	stream.linear.scatter [tilespmem:s28], [sflag:$0x2], $0x80, $0x38;
	[tilespmem:$0x1100] =	vst v63  }
0xd5: {  	_ =	swait.ge [sflag:s30], $0x80  }
0xd6: {  	s31 =	simm.s32 $0x2;
	[sflag:s30] =	ssyncset.done $0x0  }
0xd7: {  	s5 =	sadd.s32 $0xFFFFFFFF, s5;
	[sflag:s31] =	ssyncadd.s32 $0xFFFFFF80  }
0xd8: {  	_ =	sfence.sel $0x180000  }
0xd9: {  	[bflag:$0x0] =	sbarrier.arrive $0xFFFF  }
0xda: {  	_ =	strace $0x90000047  }
0xdb: {  	s0 =	stileid.u32;
	[bflag:$0x2] =	sbarrier.arrive $0xFFFF  }
0xdc: {  	p0 =	sne.s32 s0, $0x0;
	s0 =	rddreg [dreg:$0x3]  }
0xdd: {  	s0 =	sadd.s32 @!p0 $0x100000, s0  }
0xde: {  	[sflag:s0] =	ssyncadd.tile.s32 @!p0 $0x1;
	_ =	shalt  }
.Lfunc_end2:
_tile_overlayer_lowered:
.L_overlay_start_2:
0xdf: {  	(tag) =	ssettag $0x2  }
0xe0: {  	s0 =	rddreg [dreg:$0x0];
	s2 =	stileid.u32  }
0xe1: {  	s1 =	rddreg [dreg:$0x1];
	p0 =	sne.s32 s2, $0x0  }
0xe2: {  	s3 =	rddreg [dreg:$0x2];
	[bflag:$0x3] =	sbarrier.arrive $0xFFFF;
	s2 =	simm.s32 @!p0 $0x1C02  }
0xe3: {  	[timem:s3], [sflag:s2] =	dma.local @!p0 [hbm:s0], s1  }
0xe4: {  	s0 =	simm.s32 @!p0 $0x2  }
0xe5: {  	_ =	swait.ge @!p0 [sflag:s0], s1  }
0xe6: {  	s1 =	ssub.s32 @!p0 $0x0, s1;
	[sflag:s0] =	ssyncset.done @!p0 $0x0  }
0xe7: {  	[sflag:s0] =	ssyncadd.s32 @!p0 s1  }
0xe8: {  	[bflag:$0x3] =	sbarrier.arrive $0xFFFF  }
0xe9: {  	_ =	shalt  }

</sc_bundles>
